<compile_context>
chip_gen: v7x
topology: tpu7x:2x2x1
jax: 0.10.2.dev20260603
libtpu: 0.0.44.dev20260713+nightly
codegen_flags: <defaults>
</compile_context>

<pallas_src>
import jax
import jax.numpy as jnp
from jax import lax
from jax.experimental import pallas as pl
from jax.experimental.pallas import tpu as pltpu
from jax.experimental.pallas import tpu_sc as plsc

B = 16384
_NC = 2
_NS = 16
_NW = _NC * _NS
_ROWS_PER_W = B // _NW
_CHUNK = 128
_NCHUNK = _ROWS_PER_W // _CHUNK
_EW = 16
_NROUTE, _NNODE, _NWT = 500, 3200, 24


_CTAB = 3744


def _sc_gather_body(rid_hbm, nid_hbm, wid_hbm, ctab_hbm,
                    x_out,
                    ctab_sp,
                    ridx_v, nidx_v, widx_v, rrows_v, nrows_v, wrows_v,
                    sem_idx, sem_g, sem_st, sem_tab):
    sid = lax.axis_index("s")
    wid = sid * _NC + lax.axis_index("c")
    base = wid * _ROWS_PER_W
    sl = pl.ds(base, _ROWS_PER_W)
    idx_loads = [pltpu.async_copy(h.at[sl], v, sem_idx)
                 for h, v in ((rid_hbm, ridx_v), (nid_hbm, nidx_v),
                              (wid_hbm, widx_v))]
    trows = _CTAB // _NS
    tsl = pl.ds(sid * trows, trows)
    pltpu.async_copy(ctab_hbm.at[tsl], ctab_sp.at[tsl], sem_tab).wait()
    for c in idx_loads:
        c.wait()
    for off, v in ((_NROUTE, nidx_v), (_NROUTE + _NNODE, widx_v)):
        for i in range(_ROWS_PER_W // 16):
            isl = pl.ds(i * 16, 16)
            v[isl] = v[isl] + off
    plsc.subcore_barrier()
    idxs = (ridx_v, nidx_v, widx_v)
    rows = (rrows_v, nrows_v, wrows_v)
    gathers = []
    for c in range(_NCHUNK):
        csl = pl.ds(c * _CHUNK, _CHUNK)
        for k in range(3):
            gathers.append(pltpu.async_copy(ctab_sp.at[idxs[k].at[csl]],
                                            rows[k].at[csl], sem_g))
    stores = []
    for c in range(_NCHUNK):
        csl = pl.ds(c * _CHUNK, _CHUNK)
        osl = pl.ds(base + c * _CHUNK, _CHUNK)
        for k in range(3):
            gathers[c * 3 + k].wait()
            stores.append(pltpu.async_copy(
                rows[k].at[csl], x_out.at[osl, pl.ds(k * _EW, _EW)],
                sem_st))
    for c in stores:
        c.wait()


def _sc_gather(route_id, node_id, wt_id, ctab):
    mesh = plsc.VectorSubcoreMesh(core_axis_name="c", subcore_axis_name="s")
    idx_t = pltpu.VMEM((_ROWS_PER_W,), jnp.int32)
    rows_t = pltpu.VMEM((_ROWS_PER_W, _EW), jnp.float32)
    f = pl.kernel(
        _sc_gather_body,
        out_type=jax.ShapeDtypeStruct((B, 128), jnp.float32),
        mesh=mesh,
        scratch_types=[
            pltpu.VMEM_SHARED((_CTAB, _EW), jnp.float32),
            idx_t, idx_t, idx_t, rows_t, rows_t, rows_t,
            pltpu.SemaphoreType.DMA,
            pltpu.SemaphoreType.DMA,
            pltpu.SemaphoreType.DMA,
            pltpu.SemaphoreType.DMA,
        ],
        compiler_params=pltpu.CompilerParams(use_tc_tiling_on_sc=False),
    )
    return f(route_id, node_id, wt_id, ctab)


_R = 8192


def _mlp_body(dense_t, x, w1d, w1e, b1, w2t, b2, w3, b3, out):
    f32 = jnp.float32
    bf16 = jnp.bfloat16
    lanes = lax.broadcasted_iota(jnp.int32, (1, 128), 1)
    xc = jnp.where(lanes < 3 * _EW, x[...], 0.0)
    h = (lax.dot_general(dense_t[...], w1d[...], (((0,), (0,)), ((), ())),
                         preferred_element_type=f32)
         + jnp.dot(xc.astype(bf16), w1e[...].astype(bf16),
                   preferred_element_type=f32) + b1[...])
    h = jnp.maximum(h, 0.0)
    h = jnp.maximum(jnp.dot(h.astype(bf16), w2t[...].astype(bf16),
                            preferred_element_type=f32) + b2[...], 0.0)
    out[...] = lax.dot_general(w3[...], h, (((1,), (1,)), ((), ())),
                               preferred_element_type=f32) + b3[...]


def _tc_mlp(dense_t, x, w1d, w1e, b1, w2t, b2, w3, b3):
    grid = (B // _R,)
    row = lambda i: (i, 0)
    rep = lambda i: (0, 0)
    col = lambda i: (0, i)
    return pl.pallas_call(
        _mlp_body,
        grid=grid,
        in_specs=[
            pl.BlockSpec((6, _R), col),
            pl.BlockSpec((_R, 128), row),
            pl.BlockSpec((6, 128), rep),
            pl.BlockSpec((128, 128), rep),
            pl.BlockSpec((1, 128), rep),
            pl.BlockSpec((128, 64), rep),
            pl.BlockSpec((1, 64), rep),
            pl.BlockSpec((1, 64), rep),
            pl.BlockSpec((1, 1), rep),
        ],
        out_specs=pl.BlockSpec((1, _R), col),
        out_shape=jax.ShapeDtypeStruct((1, B), jnp.float32),
    )(dense_t, x, w1d, w1e, b1, w2t, b2, w3, b3)


def kernel(route_id, node_id, weekday_timegroup, dense_feats, route_table,
           node_table, wt_table, W1, b1, W2, b2, W3, b3):
    rtab = jnp.pad(route_table, ((0, 0), (0, _EW - 8)))
    wtab = jnp.pad(wt_table, ((0, 0), (0, _EW - 4), ))
    ctab = jnp.concatenate(
        [rtab, node_table, wtab,
         jnp.zeros((_CTAB - _NROUTE - _NNODE - _NWT, _EW), jnp.float32)],
        axis=0)

    x = _sc_gather(route_id.astype(jnp.int32), node_id.astype(jnp.int32),
                   weekday_timegroup.astype(jnp.int32), ctab)

    w1e = jnp.zeros((128, 128), jnp.float32)
    w1e = w1e.at[0:8, :].set(W1[:, 6:14].T)
    w1e = w1e.at[16:32, :].set(W1[:, 14:30].T)
    w1e = w1e.at[32:36, :].set(W1[:, 30:34].T)
    w1d = W1[:, 0:6].T

    out = _tc_mlp(dense_feats.T, x, w1d, w1e, b1.reshape(1, 128), W2.T,
                  b2.reshape(1, 64), W3, b3.reshape(1, 1))
    return out.reshape(B)

# --- scband reference (transcript-rebuilt; emitter-appended) ---
"""Pipeline reference for scband-eta-mlp-74680891343653 (READ-ONLY COPY).

The authoritative reference and input builder live on the scoring server;
editing this copy changes nothing except your own understanding.
"""

import jax, jax.numpy as jnp
import numpy as np


def setup_inputs(seed: int = 0) -> dict:
    key = jax.random.key(seed)
    ks = jax.random.split(key, 14)
    B = 16384
    route_id = jax.random.randint(ks[0], (B,), 0, 500, dtype=jnp.int64) if jax.config.jax_enable_x64 else jax.random.randint(ks[0], (B,), 0, 500, dtype=jnp.int32)
    node_id = jax.random.randint(ks[1], (B,), 0, 3200, dtype=route_id.dtype)
    weekday_timegroup = jax.random.randint(ks[2], (B,), 0, 24, dtype=route_id.dtype)
    dense_feats = jax.random.normal(ks[3], (B, 6), dtype=jnp.float32)
    route_table = jax.random.normal(ks[4], (500, 8), dtype=jnp.float32) * 0.02
    node_table = jax.random.normal(ks[5], (3200, 16), dtype=jnp.float32) * 0.02
    wt_table = jax.random.normal(ks[6], (24, 4), dtype=jnp.float32) * 0.02
    in_dim = 6 + 8 + 16 + 4
    W1 = jax.random.normal(ks[7], (128, in_dim), dtype=jnp.float32) * (1.0 / np.sqrt(in_dim))
    b1 = jnp.zeros((128,), dtype=jnp.float32)
    W2 = jax.random.normal(ks[8], (64, 128), dtype=jnp.float32) * (1.0 / np.sqrt(128))
    b2 = jnp.zeros((64,), dtype=jnp.float32)
    W3 = jax.random.normal(ks[9], (1, 64), dtype=jnp.float32) * (1.0 / np.sqrt(64))
    b3 = jnp.zeros((1,), dtype=jnp.float32)
    return {
        "route_id": route_id,
        "node_id": node_id,
        "weekday_timegroup": weekday_timegroup,
        "dense_feats": dense_feats,
        "route_table": route_table,
        "node_table": node_table,
        "wt_table": wt_table,
        "W1": W1, "b1": b1,
        "W2": W2, "b2": b2,
        "W3": W3, "b3": b3,
    }


def reference(route_id, node_id, weekday_timegroup, dense_feats, route_table, node_table, wt_table, W1, b1, W2, b2, W3, b3):
    route_emb = jnp.take(route_table, route_id, axis=0)
    node_emb = jnp.take(node_table, node_id, axis=0)
    weekday_emb = jnp.take(wt_table, weekday_timegroup, axis=0)
    x = jnp.concatenate([dense_feats, route_emb, node_emb, weekday_emb], axis=1)
    x = jax.nn.relu(x @ W1.T + b1)
    x = jax.nn.relu(x @ W2.T + b2)
    x = x @ W3.T + b3
    return jnp.squeeze(x)

if __name__ == "__main__":
    import jax
    _d = setup_inputs()
    print(jax.jit(kernel)(*tuple(_d.values())))

</pallas_src>

<mosaic_0001>
#map = affine_map<(d0, d1) -> (0)>
#map1 = affine_map<(d0, d1) -> (0, 0)>
module attributes {stable_mosaic.version = 14 : i64} {
  func.func @_sc_gather_body(%arg0: i32, %arg1: i32, %arg2: memref<16384xi32, #tpu.memory_space<hbm>>, %arg3: memref<16384xi32, #tpu.memory_space<hbm>>, %arg4: memref<16384xi32, #tpu.memory_space<hbm>>, %arg5: memref<3744x16xf32, #tpu.memory_space<hbm>>, %arg6: memref<16384x128xf32, #tpu.memory_space<hbm>>, %arg7: memref<3744x16xf32, #tpu.memory_space<vmem_shared>>, %arg8: memref<512xi32, #tpu.memory_space<vmem>>, %arg9: memref<512xi32, #tpu.memory_space<vmem>>, %arg10: memref<512xi32, #tpu.memory_space<vmem>>, %arg11: memref<512x16xf32, #tpu.memory_space<vmem>>, %arg12: memref<512x16xf32, #tpu.memory_space<vmem>>, %arg13: memref<512x16xf32, #tpu.memory_space<vmem>>, %arg14: memref<!tpu.dma_semaphore, #tpu.memory_space<semaphore_mem>>, %arg15: memref<!tpu.dma_semaphore, #tpu.memory_space<semaphore_mem>>, %arg16: memref<!tpu.dma_semaphore, #tpu.memory_space<semaphore_mem>>, %arg17: memref<!tpu.dma_semaphore, #tpu.memory_space<semaphore_mem>>) attributes {dimension_semantics = [#tpu.dimension_semantics<core_parallel>, #tpu.dimension_semantics<subcore_parallel>], iteration_bounds = array<i64: 2, 16>, scalar_prefetch = 0 : i64, scratch_operands = 11 : i64, tpu.core_type = #tpu.core_type<sc_vector_subcore>, window_params = [{transform_indices = #map}, {transform_indices = #map}, {transform_indices = #map}, {transform_indices = #map1}, {transform_indices = #map1}]} {
    %mul3A = arith.constant 2 : i32
    %mul3A_0 = arith.muli %arg1, %mul3A : i32
    %add3A = arith.addi %mul3A_0, %arg0 : i32
    %mul3A_1 = arith.constant 512 : i32
    %mul3A_2 = arith.muli %add3A, %mul3A_1 : i32
    %dma_start3A = tpu.memref_slice %arg2[%mul3A_2] : memref<16384xi32, #tpu.memory_space<hbm>> -> memref<512xi32, #tpu.memory_space<hbm>>
    %dma_start3A_3 = tpu.memref_slice %arg2[%mul3A_2] : memref<16384xi32, #tpu.memory_space<hbm>> -> memref<512xi32, #tpu.memory_space<hbm>>
    tpu.enqueue_dma source(%dma_start3A_3 : memref<512xi32, #tpu.memory_space<hbm>>) target(%arg8 : memref<512xi32, #tpu.memory_space<vmem>>) target_semaphore(%arg14 : memref<!tpu.dma_semaphore, #tpu.memory_space<semaphore_mem>>)
    %dma_start3A_4 = tpu.memref_slice %arg3[%mul3A_2] : memref<16384xi32, #tpu.memory_space<hbm>> -> memref<512xi32, #tpu.memory_space<hbm>>
    %dma_start3A_5 = tpu.memref_slice %arg3[%mul3A_2] : memref<16384xi32, #tpu.memory_space<hbm>> -> memref<512xi32, #tpu.memory_space<hbm>>
    tpu.enqueue_dma source(%dma_start3A_5 : memref<512xi32, #tpu.memory_space<hbm>>) target(%arg9 : memref<512xi32, #tpu.memory_space<vmem>>) target_semaphore(%arg14 : memref<!tpu.dma_semaphore, #tpu.memory_space<semaphore_mem>>)
    %dma_start3A_6 = tpu.memref_slice %arg4[%mul3A_2] : memref<16384xi32, #tpu.memory_space<hbm>> -> memref<512xi32, #tpu.memory_space<hbm>>
    %dma_start3A_7 = tpu.memref_slice %arg4[%mul3A_2] : memref<16384xi32, #tpu.memory_space<hbm>> -> memref<512xi32, #tpu.memory_space<hbm>>
    tpu.enqueue_dma source(%dma_start3A_7 : memref<512xi32, #tpu.memory_space<hbm>>) target(%arg10 : memref<512xi32, #tpu.memory_space<vmem>>) target_semaphore(%arg14 : memref<!tpu.dma_semaphore, #tpu.memory_space<semaphore_mem>>)
    %mul3A_8 = arith.constant 234 : i32
    %mul3A_9 = arith.muli %arg1, %mul3A_8 : i32
    %dma_start3A_10 = arith.constant 0 : i32
    %dma_start3A_11 = tpu.memref_slice %arg7[%mul3A_9, %dma_start3A_10] : memref<3744x16xf32, #tpu.memory_space<vmem_shared>> -> memref<234x16xf32, #tpu.memory_space<vmem_shared>>
    %dma_start3A_12 = arith.constant 0 : i32
    %dma_start3A_13 = tpu.memref_slice %arg5[%mul3A_9, %dma_start3A_12] : memref<3744x16xf32, #tpu.memory_space<hbm>> -> memref<234x16xf32, #tpu.memory_space<hbm>>
    tpu.enqueue_dma source(%dma_start3A_13 : memref<234x16xf32, #tpu.memory_space<hbm>>) target(%dma_start3A_11 : memref<234x16xf32, #tpu.memory_space<vmem_shared>>) target_semaphore(%arg17 : memref<!tpu.dma_semaphore, #tpu.memory_space<semaphore_mem>>)
    %dma_wait3A = arith.constant 0 : i32
    %dma_wait3A_14 = tpu.memref_slice %arg7[%mul3A_9, %dma_wait3A] : memref<3744x16xf32, #tpu.memory_space<vmem_shared>> -> memref<234x16xf32, #tpu.memory_space<vmem_shared>>
    %dma_wait3A_15 = arith.constant 0 : i32
    %dma_wait3A_16 = tpu.memref_slice %arg5[%mul3A_9, %dma_wait3A_15] : memref<3744x16xf32, #tpu.memory_space<hbm>> -> memref<234x16xf32, #tpu.memory_space<hbm>>
    tpu.wait_dma2 semaphore(%arg17 : memref<!tpu.dma_semaphore, #tpu.memory_space<semaphore_mem>>) src(%dma_wait3A_16 : memref<234x16xf32, #tpu.memory_space<hbm>>) dst(%dma_wait3A_14 : memref<234x16xf32, #tpu.memory_space<vmem_shared>>)
    %dma_wait3A_17 = tpu.memref_slice %arg2[%mul3A_2] : memref<16384xi32, #tpu.memory_space<hbm>> -> memref<512xi32, #tpu.memory_space<hbm>>
    %dma_wait3A_18 = tpu.memref_slice %arg2[%mul3A_2] : memref<16384xi32, #tpu.memory_space<hbm>> -> memref<512xi32, #tpu.memory_space<hbm>>
    tpu.wait_dma2 semaphore(%arg14 : memref<!tpu.dma_semaphore, #tpu.memory_space<semaphore_mem>>) src(%dma_wait3A_18 : memref<512xi32, #tpu.memory_space<hbm>>) dst(%arg8 : memref<512xi32, #tpu.memory_space<vmem>>)
    %dma_wait3A_19 = tpu.memref_slice %arg3[%mul3A_2] : memref<16384xi32, #tpu.memory_space<hbm>> -> memref<512xi32, #tpu.memory_space<hbm>>
    %dma_wait3A_20 = tpu.memref_slice %arg3[%mul3A_2] : memref<16384xi32, #tpu.memory_space<hbm>> -> memref<512xi32, #tpu.memory_space<hbm>>
    tpu.wait_dma2 semaphore(%arg14 : memref<!tpu.dma_semaphore, #tpu.memory_space<semaphore_mem>>) src(%dma_wait3A_20 : memref<512xi32, #tpu.memory_space<hbm>>) dst(%arg9 : memref<512xi32, #tpu.memory_space<vmem>>)
    %dma_wait3A_21 = tpu.memref_slice %arg4[%mul3A_2] : memref<16384xi32, #tpu.memory_space<hbm>> -> memref<512xi32, #tpu.memory_space<hbm>>
    %dma_wait3A_22 = tpu.memref_slice %arg4[%mul3A_2] : memref<16384xi32, #tpu.memory_space<hbm>> -> memref<512xi32, #tpu.memory_space<hbm>>
    tpu.wait_dma2 semaphore(%arg14 : memref<!tpu.dma_semaphore, #tpu.memory_space<semaphore_mem>>) src(%dma_wait3A_22 : memref<512xi32, #tpu.memory_space<hbm>>) dst(%arg10 : memref<512xi32, #tpu.memory_space<vmem>>)
    %get3A = arith.constant 0 : index
    %get3A_23 = tpu.vector_load %arg9[%get3A] {strides = array<i32>} : memref<512xi32, #tpu.memory_space<vmem>>, vector<16xi32>,
    %get3A_24 = vector.shape_cast %get3A_23 : vector<16xi32> to vector<16xi32>
    %add3A_25 = arith.constant 500 : i32
    %add3A_26 = vector.broadcast %add3A_25 : i32 to vector<16xi32>
    %add3A_27 = arith.addi %get3A_24, %add3A_26 : vector<16xi32>
    %swap3A = arith.constant 0 : index
    %swap3A_28 = tpu.vector_load %arg9[%swap3A] {strides = array<i32>} : memref<512xi32, #tpu.memory_space<vmem>>, vector<16xi32>,
    %swap3A_29 = vector.shape_cast %swap3A_28 : vector<16xi32> to vector<16xi32>
    %swap3A_30 = vector.shape_cast %add3A_27 : vector<16xi32> to vector<16xi32>
    tpu.vector_store %arg9[%swap3A], %swap3A_30 {strides = array<i32>} : memref<512xi32, #tpu.memory_space<vmem>>, vector<16xi32>,
    %get3A_31 = arith.constant 16 : index
    %get3A_32 = tpu.vector_load %arg9[%get3A_31] {strides = array<i32>} : memref<512xi32, #tpu.memory_space<vmem>>, vector<16xi32>,
    %get3A_33 = vector.shape_cast %get3A_32 : vector<16xi32> to vector<16xi32>
    %add3A_34 = arith.constant 500 : i32
    %add3A_35 = vector.broadcast %add3A_34 : i32 to vector<16xi32>
    %add3A_36 = arith.addi %get3A_33, %add3A_35 : vector<16xi32>
    %swap3A_37 = arith.constant 16 : index
    %swap3A_38 = tpu.vector_load %arg9[%swap3A_37] {strides = array<i32>} : memref<512xi32, #tpu.memory_space<vmem>>, vector<16xi32>,
    %swap3A_39 = vector.shape_cast %swap3A_38 : vector<16xi32> to vector<16xi32>
    %swap3A_40 = vector.shape_cast %add3A_36 : vector<16xi32> to vector<16xi32>
    tpu.vector_store %arg9[%swap3A_37], %swap3A_40 {strides = array<i32>} : memref<512xi32, #tpu.memory_space<vmem>>, vector<16xi32>,
    %get3A_41 = arith.constant 32 : index
    %get3A_42 = tpu.vector_load %arg9[%get3A_41] {strides = array<i32>} : memref<512xi32, #tpu.memory_space<vmem>>, vector<16xi32>,
    %get3A_43 = vector.shape_cast %get3A_42 : vector<16xi32> to vector<16xi32>
    %add3A_44 = arith.constant 500 : i32
    %add3A_45 = vector.broadcast %add3A_44 : i32 to vector<16xi32>
    %add3A_46 = arith.addi %get3A_43, %add3A_45 : vector<16xi32>
    %swap3A_47 = arith.constant 32 : index
    %swap3A_48 = tpu.vector_load %arg9[%swap3A_47] {strides = array<i32>} : memref<512xi32, #tpu.memory_space<vmem>>, vector<16xi32>,
    %swap3A_49 = vector.shape_cast %swap3A_48 : vector<16xi32> to vector<16xi32>
    %swap3A_50 = vector.shape_cast %add3A_46 : vector<16xi32> to vector<16xi32>
    tpu.vector_store %arg9[%swap3A_47], %swap3A_50 {strides = array<i32>} : memref<512xi32, #tpu.memory_space<vmem>>, vector<16xi32>,
    %get3A_51 = arith.constant 48 : index
    %get3A_52 = tpu.vector_load %arg9[%get3A_51] {strides = array<i32>} : memref<512xi32, #tpu.memory_space<vmem>>, vector<16xi32>,
    %get3A_53 = vector.shape_cast %get3A_52 : vector<16xi32> to vector<16xi32>
    %add3A_54 = arith.constant 500 : i32
    %add3A_55 = vector.broadcast %add3A_54 : i32 to vector<16xi32>
    %add3A_56 = arith.addi %get3A_53, %add3A_55 : vector<16xi32>
    %swap3A_57 = arith.constant 48 : index
    %swap3A_58 = tpu.vector_load %arg9[%swap3A_57] {strides = array<i32>} : memref<512xi32, #tpu.memory_space<vmem>>, vector<16xi32>,
    %swap3A_59 = vector.shape_cast %swap3A_58 : vector<16xi32> to vector<16xi32>
    %swap3A_60 = vector.shape_cast %add3A_56 : vector<16xi32> to vector<16xi32>
    tpu.vector_store %arg9[%swap3A_57], %swap3A_60 {strides = array<i32>} : memref<512xi32, #tpu.memory_space<vmem>>, vector<16xi32>,
    %get3A_61 = arith.constant 64 : index
    %get3A_62 = tpu.vector_load %arg9[%get3A_61] {strides = array<i32>} : memref<512xi32, #tpu.memory_space<vmem>>, vector<16xi32>,
    %get3A_63 = vector.shape_cast %get3A_62 : vector<16xi32> to vector<16xi32>
    %add3A_64 = arith.constant 500 : i32
    %add3A_65 = vector.broadcast %add3A_64 : i32 to vector<16xi32>
    %add3A_66 = arith.addi %get3A_63, %add3A_65 : vector<16xi32>
    %swap3A_67 = arith.constant 64 : index
    %swap3A_68 = tpu.vector_load %arg9[%swap3A_67] {strides = array<i32>} : memref<512xi32, #tpu.memory_space<vmem>>, vector<16xi32>,
    %swap3A_69 = vector.shape_cast %swap3A_68 : vector<16xi32> to vector<16xi32>
    %swap3A_70 = vector.shape_cast %add3A_66 : vector<16xi32> to vector<16xi32>
    tpu.vector_store %arg9[%swap3A_67], %swap3A_70 {strides = array<i32>} : memref<512xi32, #tpu.memory_space<vmem>>, vector<16xi32>,
    %get3A_71 = arith.constant 80 : index
    %get3A_72 = tpu.vector_load %arg9[%get3A_71] {strides = array<i32>} : memref<512xi32, #tpu.memory_space<vmem>>, vector<16xi32>,
    %get3A_73 = vector.shape_cast %get3A_72 : vector<16xi32> to vector<16xi32>
    %add3A_74 = arith.constant 500 : i32
    %add3A_75 = vector.broadcast %add3A_74 : i32 to vector<16xi32>
    %add3A_76 = arith.addi %get3A_73, %add3A_75 : vector<16xi32>
    %swap3A_77 = arith.constant 80 : index
    %swap3A_78 = tpu.vector_load %arg9[%swap3A_77] {strides = array<i32>} : memref<512xi32, #tpu.memory_space<vmem>>, vector<16xi32>,
    %swap3A_79 = vector.shape_cast %swap3A_78 : vector<16xi32> to vector<16xi32>
    %swap3A_80 = vector.shape_cast %add3A_76 : vector<16xi32> to vector<16xi32>
    tpu.vector_store %arg9[%swap3A_77], %swap3A_80 {strides = array<i32>} : memref<512xi32, #tpu.memory_space<vmem>>, vector<16xi32>,
    %get3A_81 = arith.constant 96 : index
    %get3A_82 = tpu.vector_load %arg9[%get3A_81] {strides = array<i32>} : memref<512xi32, #tpu.memory_space<vmem>>, vector<16xi32>,
    %get3A_83 = vector.shape_cast %get3A_82 : vector<16xi32> to vector<16xi32>
    %add3A_84 = arith.constant 500 : i32
    %add3A_85 = vector.broadcast %add3A_84 : i32 to vector<16xi32>
    %add3A_86 = arith.addi %get3A_83, %add3A_85 : vector<16xi32>
    %swap3A_87 = arith.constant 96 : index
    %swap3A_88 = tpu.vector_load %arg9[%swap3A_87] {strides = array<i32>} : memref<512xi32, #tpu.memory_space<vmem>>, vector<16xi32>,
    %swap3A_89 = vector.shape_cast %swap3A_88 : vector<16xi32> to vector<16xi32>
    %swap3A_90 = vector.shape_cast %add3A_86 : vector<16xi32> to vector<16xi32>
    tpu.vector_store %arg9[%swap3A_87], %swap3A_90 {strides = array<i32>} : memref<512xi32, #tpu.memory_space<vmem>>, vector<16xi32>,
    %get3A_91 = arith.constant 112 : index
    %get3A_92 = tpu.vector_load %arg9[%get3A_91] {strides = array<i32>} : memref<512xi32, #tpu.memory_space<vmem>>, vector<16xi32>,
    %get3A_93 = vector.shape_cast %get3A_92 : vector<16xi32> to vector<16xi32>
    %add3A_94 = arith.constant 500 : i32
    %add3A_95 = vector.broadcast %add3A_94 : i32 to vector<16xi32>
    %add3A_96 = arith.addi %get3A_93, %add3A_95 : vector<16xi32>
    %swap3A_97 = arith.constant 112 : index
    %swap3A_98 = tpu.vector_load %arg9[%swap3A_97] {strides = array<i32>} : memref<512xi32, #tpu.memory_space<vmem>>, vector<16xi32>,
    %swap3A_99 = vector.shape_cast %swap3A_98 : vector<16xi32> to vector<16xi32>
    %swap3A_100 = vector.shape_cast %add3A_96 : vector<16xi32> to vector<16xi32>
    tpu.vector_store %arg9[%swap3A_97], %swap3A_100 {strides = array<i32>} : memref<512xi32, #tpu.memory_space<vmem>>, vector<16xi32>,
    %get3A_101 = arith.constant 128 : index
    %get3A_102 = tpu.vector_load %arg9[%get3A_101] {strides = array<i32>} : memref<512xi32, #tpu.memory_space<vmem>>, vector<16xi32>,
    %get3A_103 = vector.shape_cast %get3A_102 : vector<16xi32> to vector<16xi32>
    %add3A_104 = arith.constant 500 : i32
    %add3A_105 = vector.broadcast %add3A_104 : i32 to vector<16xi32>
    %add3A_106 = arith.addi %get3A_103, %add3A_105 : vector<16xi32>
    %swap3A_107 = arith.constant 128 : index
    %swap3A_108 = tpu.vector_load %arg9[%swap3A_107] {strides = array<i32>} : memref<512xi32, #tpu.memory_space<vmem>>, vector<16xi32>,
    %swap3A_109 = vector.shape_cast %swap3A_108 : vector<16xi32> to vector<16xi32>
    %swap3A_110 = vector.shape_cast %add3A_106 : vector<16xi32> to vector<16xi32>
    tpu.vector_store %arg9[%swap3A_107], %swap3A_110 {strides = array<i32>} : memref<512xi32, #tpu.memory_space<vmem>>, vector<16xi32>,
    %get3A_111 = arith.constant 144 : index
    %get3A_112 = tpu.vector_load %arg9[%get3A_111] {strides = array<i32>} : memref<512xi32, #tpu.memory_space<vmem>>, vector<16xi32>,
    %get3A_113 = vector.shape_cast %get3A_112 : vector<16xi32> to vector<16xi32>
    %add3A_114 = arith.constant 500 : i32
    %add3A_115 = vector.broadcast %add3A_114 : i32 to vector<16xi32>
    %add3A_116 = arith.addi %get3A_113, %add3A_115 : vector<16xi32>
    %swap3A_117 = arith.constant 144 : index
    %swap3A_118 = tpu.vector_load %arg9[%swap3A_117] {strides = array<i32>} : memref<512xi32, #tpu.memory_space<vmem>>, vector<16xi32>,
    %swap3A_119 = vector.shape_cast %swap3A_118 : vector<16xi32> to vector<16xi32>
    %swap3A_120 = vector.shape_cast %add3A_116 : vector<16xi32> to vector<16xi32>
    tpu.vector_store %arg9[%swap3A_117], %swap3A_120 {strides = array<i32>} : memref<512xi32, #tpu.memory_space<vmem>>, vector<16xi32>,
    %get3A_121 = arith.constant 160 : index
    %get3A_122 = tpu.vector_load %arg9[%get3A_121] {strides = array<i32>} : memref<512xi32, #tpu.memory_space<vmem>>, vector<16xi32>,
    %get3A_123 = vector.shape_cast %get3A_122 : vector<16xi32> to vector<16xi32>
    %add3A_124 = arith.constant 500 : i32
    %add3A_125 = vector.broadcast %add3A_124 : i32 to vector<16xi32>
    %add3A_126 = arith.addi %get3A_123, %add3A_125 : vector<16xi32>
    %swap3A_127 = arith.constant 160 : index
    %swap3A_128 = tpu.vector_load %arg9[%swap3A_127] {strides = array<i32>} : memref<512xi32, #tpu.memory_space<vmem>>, vector<16xi32>,
    %swap3A_129 = vector.shape_cast %swap3A_128 : vector<16xi32> to vector<16xi32>
    %swap3A_130 = vector.shape_cast %add3A_126 : vector<16xi32> to vector<16xi32>
    tpu.vector_store %arg9[%swap3A_127], %swap3A_130 {strides = array<i32>} : memref<512xi32, #tpu.memory_space<vmem>>, vector<16xi32>,
    %get3A_131 = arith.constant 176 : index
    %get3A_132 = tpu.vector_load %arg9[%get3A_131] {strides = array<i32>} : memref<512xi32, #tpu.memory_space<vmem>>, vector<16xi32>,
    %get3A_133 = vector.shape_cast %get3A_132 : vector<16xi32> to vector<16xi32>
    %add3A_134 = arith.constant 500 : i32
    %add3A_135 = vector.broadcast %add3A_134 : i32 to vector<16xi32>
    %add3A_136 = arith.addi %get3A_133, %add3A_135 : vector<16xi32>
    %swap3A_137 = arith.constant 176 : index
    %swap3A_138 = tpu.vector_load %arg9[%swap3A_137] {strides = array<i32>} : memref<512xi32, #tpu.memory_space<vmem>>, vector<16xi32>,
    %swap3A_139 = vector.shape_cast %swap3A_138 : vector<16xi32> to vector<16xi32>
    %swap3A_140 = vector.shape_cast %add3A_136 : vector<16xi32> to vector<16xi32>
    tpu.vector_store %arg9[%swap3A_137], %swap3A_140 {strides = array<i32>} : memref<512xi32, #tpu.memory_space<vmem>>, vector<16xi32>,
    %get3A_141 = arith.constant 192 : index
    %get3A_142 = tpu.vector_load %arg9[%get3A_141] {strides = array<i32>} : memref<512xi32, #tpu.memory_space<vmem>>, vector<16xi32>,
    %get3A_143 = vector.shape_cast %get3A_142 : vector<16xi32> to vector<16xi32>
    %add3A_144 = arith.constant 500 : i32
    %add3A_145 = vector.broadcast %add3A_144 : i32 to vector<16xi32>
    %add3A_146 = arith.addi %get3A_143, %add3A_145 : vector<16xi32>
    %swap3A_147 = arith.constant 192 : index
    %swap3A_148 = tpu.vector_load %arg9[%swap3A_147] {strides = array<i32>} : memref<512xi32, #tpu.memory_space<vmem>>, vector<16xi32>,
    %swap3A_149 = vector.shape_cast %swap3A_148 : vector<16xi32> to vector<16xi32>
    %swap3A_150 = vector.shape_cast %add3A_146 : vector<16xi32> to vector<16xi32>
    tpu.vector_store %arg9[%swap3A_147], %swap3A_150 {strides = array<i32>} : memref<512xi32, #tpu.memory_space<vmem>>, vector<16xi32>,
    %get3A_151 = arith.constant 208 : index
    %get3A_152 = tpu.vector_load %arg9[%get3A_151] {strides = array<i32>} : memref<512xi32, #tpu.memory_space<vmem>>, vector<16xi32>,
    %get3A_153 = vector.shape_cast %get3A_152 : vector<16xi32> to vector<16xi32>
    %add3A_154 = arith.constant 500 : i32
    %add3A_155 = vector.broadcast %add3A_154 : i32 to vector<16xi32>
    %add3A_156 = arith.addi %get3A_153, %add3A_155 : vector<16xi32>
    %swap3A_157 = arith.constant 208 : index
    %swap3A_158 = tpu.vector_load %arg9[%swap3A_157] {strides = array<i32>} : memref<512xi32, #tpu.memory_space<vmem>>, vector<16xi32>,
    %swap3A_159 = vector.shape_cast %swap3A_158 : vector<16xi32> to vector<16xi32>
    %swap3A_160 = vector.shape_cast %add3A_156 : vector<16xi32> to vector<16xi32>
    tpu.vector_store %arg9[%swap3A_157], %swap3A_160 {strides = array<i32>} : memref<512xi32, #tpu.memory_space<vmem>>, vector<16xi32>,
    %get3A_161 = arith.constant 224 : index
    %get3A_162 = tpu.vector_load %arg9[%get3A_161] {strides = array<i32>} : memref<512xi32, #tpu.memory_space<vmem>>, vector<16xi32>,
    %get3A_163 = vector.shape_cast %get3A_162 : vector<16xi32> to vector<16xi32>
    %add3A_164 = arith.constant 500 : i32
    %add3A_165 = vector.broadcast %add3A_164 : i32 to vector<16xi32>
    %add3A_166 = arith.addi %get3A_163, %add3A_165 : vector<16xi32>
    %swap3A_167 = arith.constant 224 : index
    %swap3A_168 = tpu.vector_load %arg9[%swap3A_167] {strides = array<i32>} : memref<512xi32, #tpu.memory_space<vmem>>, vector<16xi32>,
    %swap3A_169 = vector.shape_cast %swap3A_168 : vector<16xi32> to vector<16xi32>
    %swap3A_170 = vector.shape_cast %add3A_166 : vector<16xi32> to vector<16xi32>
    tpu.vector_store %arg9[%swap3A_167], %swap3A_170 {strides = array<i32>} : memref<512xi32, #tpu.memory_space<vmem>>, vector<16xi32>,
    %get3A_171 = arith.constant 240 : index
    %get3A_172 = tpu.vector_load %arg9[%get3A_171] {strides = array<i32>} : memref<512xi32, #tpu.memory_space<vmem>>, vector<16xi32>,
    %get3A_173 = vector.shape_cast %get3A_172 : vector<16xi32> to vector<16xi32>
    %add3A_174 = arith.constant 500 : i32
    %add3A_175 = vector.broadcast %add3A_174 : i32 to vector<16xi32>
    %add3A_176 = arith.addi %get3A_173, %add3A_175 : vector<16xi32>
    %swap3A_177 = arith.constant 240 : index
    %swap3A_178 = tpu.vector_load %arg9[%swap3A_177] {strides = array<i32>} : memref<512xi32, #tpu.memory_space<vmem>>, vector<16xi32>,
    %swap3A_179 = vector.shape_cast %swap3A_178 : vector<16xi32> to vector<16xi32>
    %swap3A_180 = vector.shape_cast %add3A_176 : vector<16xi32> to vector<16xi32>
    tpu.vector_store %arg9[%swap3A_177], %swap3A_180 {strides = array<i32>} : memref<512xi32, #tpu.memory_space<vmem>>, vector<16xi32>,
    %get3A_181 = arith.constant 256 : index
    %get3A_182 = tpu.vector_load %arg9[%get3A_181] {strides = array<i32>} : memref<512xi32, #tpu.memory_space<vmem>>, vector<16xi32>,
    %get3A_183 = vector.shape_cast %get3A_182 : vector<16xi32> to vector<16xi32>
    %add3A_184 = arith.constant 500 : i32
    %add3A_185 = vector.broadcast %add3A_184 : i32 to vector<16xi32>
    %add3A_186 = arith.addi %get3A_183, %add3A_185 : vector<16xi32>
    %swap3A_187 = arith.constant 256 : index
    %swap3A_188 = tpu.vector_load %arg9[%swap3A_187] {strides = array<i32>} : memref<512xi32, #tpu.memory_space<vmem>>, vector<16xi32>,
    %swap3A_189 = vector.shape_cast %swap3A_188 : vector<16xi32> to vector<16xi32>
    %swap3A_190 = vector.shape_cast %add3A_186 : vector<16xi32> to vector<16xi32>
    tpu.vector_store %arg9[%swap3A_187], %swap3A_190 {strides = array<i32>} : memref<512xi32, #tpu.memory_space<vmem>>, vector<16xi32>,
    %get3A_191 = arith.constant 272 : index
    %get3A_192 = tpu.vector_load %arg9[%get3A_191] {strides = array<i32>} : memref<512xi32, #tpu.memory_space<vmem>>, vector<16xi32>,
    %get3A_193 = vector.shape_cast %get3A_192 : vector<16xi32> to vector<16xi32>
    %add3A_194 = arith.constant 500 : i32
    %add3A_195 = vector.broadcast %add3A_194 : i32 to vector<16xi32>
    %add3A_196 = arith.addi %get3A_193, %add3A_195 : vector<16xi32>
    %swap3A_197 = arith.constant 272 : index
    %swap3A_198 = tpu.vector_load %arg9[%swap3A_197] {strides = array<i32>} : memref<512xi32, #tpu.memory_space<vmem>>, vector<16xi32>,
    %swap3A_199 = vector.shape_cast %swap3A_198 : vector<16xi32> to vector<16xi32>
    %swap3A_200 = vector.shape_cast %add3A_196 : vector<16xi32> to vector<16xi32>
    tpu.vector_store %arg9[%swap3A_197], %swap3A_200 {strides = array<i32>} : memref<512xi32, #tpu.memory_space<vmem>>, vector<16xi32>,
    %get3A_201 = arith.constant 288 : index
    %get3A_202 = tpu.vector_load %arg9[%get3A_201] {strides = array<i32>} : memref<512xi32, #tpu.memory_space<vmem>>, vector<16xi32>,
    %get3A_203 = vector.shape_cast %get3A_202 : vector<16xi32> to vector<16xi32>
    %add3A_204 = arith.constant 500 : i32
    %add3A_205 = vector.broadcast %add3A_204 : i32 to vector<16xi32>
    %add3A_206 = arith.addi %get3A_203, %add3A_205 : vector<16xi32>
    %swap3A_207 = arith.constant 288 : index
    %swap3A_208 = tpu.vector_load %arg9[%swap3A_207] {strides = array<i32>} : memref<512xi32, #tpu.memory_space<vmem>>, vector<16xi32>,
    %swap3A_209 = vector.shape_cast %swap3A_208 : vector<16xi32> to vector<16xi32>
    %swap3A_210 = vector.shape_cast %add3A_206 : vector<16xi32> to vector<16xi32>
    tpu.vector_store %arg9[%swap3A_207], %swap3A_210 {strides = array<i32>} : memref<512xi32, #tpu.memory_space<vmem>>, vector<16xi32>,
    %get3A_211 = arith.constant 304 : index
    %get3A_212 = tpu.vector_load %arg9[%get3A_211] {strides = array<i32>} : memref<512xi32, #tpu.memory_space<vmem>>, vector<16xi32>,
    %get3A_213 = vector.shape_cast %get3A_212 : vector<16xi32> to vector<16xi32>
    %add3A_214 = arith.constant 500 : i32
    %add3A_215 = vector.broadcast %add3A_214 : i32 to vector<16xi32>
    %add3A_216 = arith.addi %get3A_213, %add3A_215 : vector<16xi32>
    %swap3A_217 = arith.constant 304 : index
    %swap3A_218 = tpu.vector_load %arg9[%swap3A_217] {strides = array<i32>} : memref<512xi32, #tpu.memory_space<vmem>>, vector<16xi32>,
    %swap3A_219 = vector.shape_cast %swap3A_218 : vector<16xi32> to vector<16xi32>
    %swap3A_220 = vector.shape_cast %add3A_216 : vector<16xi32> to vector<16xi32>
    tpu.vector_store %arg9[%swap3A_217], %swap3A_220 {strides = array<i32>} : memref<512xi32, #tpu.memory_space<vmem>>, vector<16xi32>,
    %get3A_221 = arith.constant 320 : index
    %get3A_222 = tpu.vector_load %arg9[%get3A_221] {strides = array<i32>} : memref<512xi32, #tpu.memory_space<vmem>>, vector<16xi32>,
    %get3A_223 = vector.shape_cast %get3A_222 : vector<16xi32> to vector<16xi32>
    %add3A_224 = arith.constant 500 : i32
    %add3A_225 = vector.broadcast %add3A_224 : i32 to vector<16xi32>
    %add3A_226 = arith.addi %get3A_223, %add3A_225 : vector<16xi32>
    %swap3A_227 = arith.constant 320 : index
    %swap3A_228 = tpu.vector_load %arg9[%swap3A_227] {strides = array<i32>} : memref<512xi32, #tpu.memory_space<vmem>>, vector<16xi32>,
    %swap3A_229 = vector.shape_cast %swap3A_228 : vector<16xi32> to vector<16xi32>
    %swap3A_230 = vector.shape_cast %add3A_226 : vector<16xi32> to vector<16xi32>
    tpu.vector_store %arg9[%swap3A_227], %swap3A_230 {strides = array<i32>} : memref<512xi32, #tpu.memory_space<vmem>>, vector<16xi32>,
    %get3A_231 = arith.constant 336 : index
    %get3A_232 = tpu.vector_load %arg9[%get3A_231] {strides = array<i32>} : memref<512xi32, #tpu.memory_space<vmem>>, vector<16xi32>,
    %get3A_233 = vector.shape_cast %get3A_232 : vector<16xi32> to vector<16xi32>
    %add3A_234 = arith.constant 500 : i32
    %add3A_235 = vector.broadcast %add3A_234 : i32 to vector<16xi32>
    %add3A_236 = arith.addi %get3A_233, %add3A_235 : vector<16xi32>
    %swap3A_237 = arith.constant 336 : index
    %swap3A_238 = tpu.vector_load %arg9[%swap3A_237] {strides = array<i32>} : memref<512xi32, #tpu.memory_space<vmem>>, vector<16xi32>,
    %swap3A_239 = vector.shape_cast %swap3A_238 : vector<16xi32> to vector<16xi32>
    %swap3A_240 = vector.shape_cast %add3A_236 : vector<16xi32> to vector<16xi32>
    tpu.vector_store %arg9[%swap3A_237], %swap3A_240 {strides = array<i32>} : memref<512xi32, #tpu.memory_space<vmem>>, vector<16xi32>,
    %get3A_241 = arith.constant 352 : index
    %get3A_242 = tpu.vector_load %arg9[%get3A_241] {strides = array<i32>} : memref<512xi32, #tpu.memory_space<vmem>>, vector<16xi32>,
    %get3A_243 = vector.shape_cast %get3A_242 : vector<16xi32> to vector<16xi32>
    %add3A_244 = arith.constant 500 : i32
    %add3A_245 = vector.broadcast %add3A_244 : i32 to vector<16xi32>
    %add3A_246 = arith.addi %get3A_243, %add3A_245 : vector<16xi32>
    %swap3A_247 = arith.constant 352 : index
    %swap3A_248 = tpu.vector_load %arg9[%swap3A_247] {strides = array<i32>} : memref<512xi32, #tpu.memory_space<vmem>>, vector<16xi32>,
    %swap3A_249 = vector.shape_cast %swap3A_248 : vector<16xi32> to vector<16xi32>
    %swap3A_250 = vector.shape_cast %add3A_246 : vector<16xi32> to vector<16xi32>
    tpu.vector_store %arg9[%swap3A_247], %swap3A_250 {strides = array<i32>} : memref<512xi32, #tpu.memory_space<vmem>>, vector<16xi32>,
    %get3A_251 = arith.constant 368 : index
    %get3A_252 = tpu.vector_load %arg9[%get3A_251] {strides = array<i32>} : memref<512xi32, #tpu.memory_space<vmem>>, vector<16xi32>,
    %get3A_253 = vector.shape_cast %get3A_252 : vector<16xi32> to vector<16xi32>
    %add3A_254 = arith.constant 500 : i32
    %add3A_255 = vector.broadcast %add3A_254 : i32 to vector<16xi32>
    %add3A_256 = arith.addi %get3A_253, %add3A_255 : vector<16xi32>
    %swap3A_257 = arith.constant 368 : index
    %swap3A_258 = tpu.vector_load %arg9[%swap3A_257] {strides = array<i32>} : memref<512xi32, #tpu.memory_space<vmem>>, vector<16xi32>,
    %swap3A_259 = vector.shape_cast %swap3A_258 : vector<16xi32> to vector<16xi32>
    %swap3A_260 = vector.shape_cast %add3A_256 : vector<16xi32> to vector<16xi32>
    tpu.vector_store %arg9[%swap3A_257], %swap3A_260 {strides = array<i32>} : memref<512xi32, #tpu.memory_space<vmem>>, vector<16xi32>,
    %get3A_261 = arith.constant 384 : index
    %get3A_262 = tpu.vector_load %arg9[%get3A_261] {strides = array<i32>} : memref<512xi32, #tpu.memory_space<vmem>>, vector<16xi32>,
    %get3A_263 = vector.shape_cast %get3A_262 : vector<16xi32> to vector<16xi32>
    %add3A_264 = arith.constant 500 : i32
    %add3A_265 = vector.broadcast %add3A_264 : i32 to vector<16xi32>
    %add3A_266 = arith.addi %get3A_263, %add3A_265 : vector<16xi32>
    %swap3A_267 = arith.constant 384 : index
    %swap3A_268 = tpu.vector_load %arg9[%swap3A_267] {strides = array<i32>} : memref<512xi32, #tpu.memory_space<vmem>>, vector<16xi32>,
    %swap3A_269 = vector.shape_cast %swap3A_268 : vector<16xi32> to vector<16xi32>
    %swap3A_270 = vector.shape_cast %add3A_266 : vector<16xi32> to vector<16xi32>
    tpu.vector_store %arg9[%swap3A_267], %swap3A_270 {strides = array<i32>} : memref<512xi32, #tpu.memory_space<vmem>>, vector<16xi32>,
    %get3A_271 = arith.constant 400 : index
    %get3A_272 = tpu.vector_load %arg9[%get3A_271] {strides = array<i32>} : memref<512xi32, #tpu.memory_space<vmem>>, vector<16xi32>,
    %get3A_273 = vector.shape_cast %get3A_272 : vector<16xi32> to vector<16xi32>
    %add3A_274 = arith.constant 500 : i32
    %add3A_275 = vector.broadcast %add3A_274 : i32 to vector<16xi32>
    %add3A_276 = arith.addi %get3A_273, %add3A_275 : vector<16xi32>
    %swap3A_277 = arith.constant 400 : index
    %swap3A_278 = tpu.vector_load %arg9[%swap3A_277] {strides = array<i32>} : memref<512xi32, #tpu.memory_space<vmem>>, vector<16xi32>,
    %swap3A_279 = vector.shape_cast %swap3A_278 : vector<16xi32> to vector<16xi32>
    %swap3A_280 = vector.shape_cast %add3A_276 : vector<16xi32> to vector<16xi32>
    tpu.vector_store %arg9[%swap3A_277], %swap3A_280 {strides = array<i32>} : memref<512xi32, #tpu.memory_space<vmem>>, vector<16xi32>,
    %get3A_281 = arith.constant 416 : index
    %get3A_282 = tpu.vector_load %arg9[%get3A_281] {strides = array<i32>} : memref<512xi32, #tpu.memory_space<vmem>>, vector<16xi32>,
    %get3A_283 = vector.shape_cast %get3A_282 : vector<16xi32> to vector<16xi32>
    %add3A_284 = arith.constant 500 : i32
    %add3A_285 = vector.broadcast %add3A_284 : i32 to vector<16xi32>
    %add3A_286 = arith.addi %get3A_283, %add3A_285 : vector<16xi32>
    %swap3A_287 = arith.constant 416 : index
    %swap3A_288 = tpu.vector_load %arg9[%swap3A_287] {strides = array<i32>} : memref<512xi32, #tpu.memory_space<vmem>>, vector<16xi32>,
    %swap3A_289 = vector.shape_cast %swap3A_288 : vector<16xi32> to vector<16xi32>
    %swap3A_290 = vector.shape_cast %add3A_286 : vector<16xi32> to vector<16xi32>
    tpu.vector_store %arg9[%swap3A_287], %swap3A_290 {strides = array<i32>} : memref<512xi32, #tpu.memory_space<vmem>>, vector<16xi32>,
    %get3A_291 = arith.constant 432 : index
    %get3A_292 = tpu.vector_load %arg9[%get3A_291] {strides = array<i32>} : memref<512xi32, #tpu.memory_space<vmem>>, vector<16xi32>,
    %get3A_293 = vector.shape_cast %get3A_292 : vector<16xi32> to vector<16xi32>
    %add3A_294 = arith.constant 500 : i32
    %add3A_295 = vector.broadcast %add3A_294 : i32 to vector<16xi32>
    %add3A_296 = arith.addi %get3A_293, %add3A_295 : vector<16xi32>
    %swap3A_297 = arith.constant 432 : index
    %swap3A_298 = tpu.vector_load %arg9[%swap3A_297] {strides = array<i32>} : memref<512xi32, #tpu.memory_space<vmem>>, vector<16xi32>,
    %swap3A_299 = vector.shape_cast %swap3A_298 : vector<16xi32> to vector<16xi32>
    %swap3A_300 = vector.shape_cast %add3A_296 : vector<16xi32> to vector<16xi32>
    tpu.vector_store %arg9[%swap3A_297], %swap3A_300 {strides = array<i32>} : memref<512xi32, #tpu.memory_space<vmem>>, vector<16xi32>,
    %get3A_301 = arith.constant 448 : index
    %get3A_302 = tpu.vector_load %arg9[%get3A_301] {strides = array<i32>} : memref<512xi32, #tpu.memory_space<vmem>>, vector<16xi32>,
    %get3A_303 = vector.shape_cast %get3A_302 : vector<16xi32> to vector<16xi32>
    %add3A_304 = arith.constant 500 : i32
    %add3A_305 = vector.broadcast %add3A_304 : i32 to vector<16xi32>
    %add3A_306 = arith.addi %get3A_303, %add3A_305 : vector<16xi32>
    %swap3A_307 = arith.constant 448 : index
    %swap3A_308 = tpu.vector_load %arg9[%swap3A_307] {strides = array<i32>} : memref<512xi32, #tpu.memory_space<vmem>>, vector<16xi32>,
    %swap3A_309 = vector.shape_cast %swap3A_308 : vector<16xi32> to vector<16xi32>
    %swap3A_310 = vector.shape_cast %add3A_306 : vector<16xi32> to vector<16xi32>
    tpu.vector_store %arg9[%swap3A_307], %swap3A_310 {strides = array<i32>} : memref<512xi32, #tpu.memory_space<vmem>>, vector<16xi32>,
    %get3A_311 = arith.constant 464 : index
    %get3A_312 = tpu.vector_load %arg9[%get3A_311] {strides = array<i32>} : memref<512xi32, #tpu.memory_space<vmem>>, vector<16xi32>,
    %get3A_313 = vector.shape_cast %get3A_312 : vector<16xi32> to vector<16xi32>
    %add3A_314 = arith.constant 500 : i32
    %add3A_315 = vector.broadcast %add3A_314 : i32 to vector<16xi32>
    %add3A_316 = arith.addi %get3A_313, %add3A_315 : vector<16xi32>
    %swap3A_317 = arith.constant 464 : index
    %swap3A_318 = tpu.vector_load %arg9[%swap3A_317] {strides = array<i32>} : memref<512xi32, #tpu.memory_space<vmem>>, vector<16xi32>,
    %swap3A_319 = vector.shape_cast %swap3A_318 : vector<16xi32> to vector<16xi32>
    %swap3A_320 = vector.shape_cast %add3A_316 : vector<16xi32> to vector<16xi32>
    tpu.vector_store %arg9[%swap3A_317], %swap3A_320 {strides = array<i32>} : memref<512xi32, #tpu.memory_space<vmem>>, vector<16xi32>,
    %get3A_321 = arith.constant 480 : index
    %get3A_322 = tpu.vector_load %arg9[%get3A_321] {strides = array<i32>} : memref<512xi32, #tpu.memory_space<vmem>>, vector<16xi32>,
    %get3A_323 = vector.shape_cast %get3A_322 : vector<16xi32> to vector<16xi32>
    %add3A_324 = arith.constant 500 : i32
    %add3A_325 = vector.broadcast %add3A_324 : i32 to vector<16xi32>
    %add3A_326 = arith.addi %get3A_323, %add3A_325 : vector<16xi32>
    %swap3A_327 = arith.constant 480 : index
    %swap3A_328 = tpu.vector_load %arg9[%swap3A_327] {strides = array<i32>} : memref<512xi32, #tpu.memory_space<vmem>>, vector<16xi32>,
    %swap3A_329 = vector.shape_cast %swap3A_328 : vector<16xi32> to vector<16xi32>
    %swap3A_330 = vector.shape_cast %add3A_326 : vector<16xi32> to vector<16xi32>
    tpu.vector_store %arg9[%swap3A_327], %swap3A_330 {strides = array<i32>} : memref<512xi32, #tpu.memory_space<vmem>>, vector<16xi32>,
    %get3A_331 = arith.constant 496 : index
    %get3A_332 = tpu.vector_load %arg9[%get3A_331] {strides = array<i32>} : memref<512xi32, #tpu.memory_space<vmem>>, vector<16xi32>,
    %get3A_333 = vector.shape_cast %get3A_332 : vector<16xi32> to vector<16xi32>
    %add3A_334 = arith.constant 500 : i32
    %add3A_335 = vector.broadcast %add3A_334 : i32 to vector<16xi32>
    %add3A_336 = arith.addi %get3A_333, %add3A_335 : vector<16xi32>
    %swap3A_337 = arith.constant 496 : index
    %swap3A_338 = tpu.vector_load %arg9[%swap3A_337] {strides = array<i32>} : memref<512xi32, #tpu.memory_space<vmem>>, vector<16xi32>,
    %swap3A_339 = vector.shape_cast %swap3A_338 : vector<16xi32> to vector<16xi32>
    %swap3A_340 = vector.shape_cast %add3A_336 : vector<16xi32> to vector<16xi32>
    tpu.vector_store %arg9[%swap3A_337], %swap3A_340 {strides = array<i32>} : memref<512xi32, #tpu.memory_space<vmem>>, vector<16xi32>,
    %get3A_341 = arith.constant 0 : index
    %get3A_342 = tpu.vector_load %arg10[%get3A_341] {strides = array<i32>} : memref<512xi32, #tpu.memory_space<vmem>>, vector<16xi32>,
    %get3A_343 = vector.shape_cast %get3A_342 : vector<16xi32> to vector<16xi32>
    %add3A_344 = arith.constant 3700 : i32
    %add3A_345 = vector.broadcast %add3A_344 : i32 to vector<16xi32>
    %add3A_346 = arith.addi %get3A_343, %add3A_345 : vector<16xi32>
    %swap3A_347 = arith.constant 0 : index
    %swap3A_348 = tpu.vector_load %arg10[%swap3A_347] {strides = array<i32>} : memref<512xi32, #tpu.memory_space<vmem>>, vector<16xi32>,
    %swap3A_349 = vector.shape_cast %swap3A_348 : vector<16xi32> to vector<16xi32>
    %swap3A_350 = vector.shape_cast %add3A_346 : vector<16xi32> to vector<16xi32>
    tpu.vector_store %arg10[%swap3A_347], %swap3A_350 {strides = array<i32>} : memref<512xi32, #tpu.memory_space<vmem>>, vector<16xi32>,
    %get3A_351 = arith.constant 16 : index
    %get3A_352 = tpu.vector_load %arg10[%get3A_351] {strides = array<i32>} : memref<512xi32, #tpu.memory_space<vmem>>, vector<16xi32>,
    %get3A_353 = vector.shape_cast %get3A_352 : vector<16xi32> to vector<16xi32>
    %add3A_354 = arith.constant 3700 : i32
    %add3A_355 = vector.broadcast %add3A_354 : i32 to vector<16xi32>
    %add3A_356 = arith.addi %get3A_353, %add3A_355 : vector<16xi32>
    %swap3A_357 = arith.constant 16 : index
    %swap3A_358 = tpu.vector_load %arg10[%swap3A_357] {strides = array<i32>} : memref<512xi32, #tpu.memory_space<vmem>>, vector<16xi32>,
    %swap3A_359 = vector.shape_cast %swap3A_358 : vector<16xi32> to vector<16xi32>
    %swap3A_360 = vector.shape_cast %add3A_356 : vector<16xi32> to vector<16xi32>
    tpu.vector_store %arg10[%swap3A_357], %swap3A_360 {strides = array<i32>} : memref<512xi32, #tpu.memory_space<vmem>>, vector<16xi32>,
    %get3A_361 = arith.constant 32 : index
    %get3A_362 = tpu.vector_load %arg10[%get3A_361] {strides = array<i32>} : memref<512xi32, #tpu.memory_space<vmem>>, vector<16xi32>,
    %get3A_363 = vector.shape_cast %get3A_362 : vector<16xi32> to vector<16xi32>
    %add3A_364 = arith.constant 3700 : i32
    %add3A_365 = vector.broadcast %add3A_364 : i32 to vector<16xi32>
    %add3A_366 = arith.addi %get3A_363, %add3A_365 : vector<16xi32>
    %swap3A_367 = arith.constant 32 : index
    %swap3A_368 = tpu.vector_load %arg10[%swap3A_367] {strides = array<i32>} : memref<512xi32, #tpu.memory_space<vmem>>, vector<16xi32>,
    %swap3A_369 = vector.shape_cast %swap3A_368 : vector<16xi32> to vector<16xi32>
    %swap3A_370 = vector.shape_cast %add3A_366 : vector<16xi32> to vector<16xi32>
    tpu.vector_store %arg10[%swap3A_367], %swap3A_370 {strides = array<i32>} : memref<512xi32, #tpu.memory_space<vmem>>, vector<16xi32>,
    %get3A_371 = arith.constant 48 : index
    %get3A_372 = tpu.vector_load %arg10[%get3A_371] {strides = array<i32>} : memref<512xi32, #tpu.memory_space<vmem>>, vector<16xi32>,
    %get3A_373 = vector.shape_cast %get3A_372 : vector<16xi32> to vector<16xi32>
    %add3A_374 = arith.constant 3700 : i32
    %add3A_375 = vector.broadcast %add3A_374 : i32 to vector<16xi32>
    %add3A_376 = arith.addi %get3A_373, %add3A_375 : vector<16xi32>
    %swap3A_377 = arith.constant 48 : index
    %swap3A_378 = tpu.vector_load %arg10[%swap3A_377] {strides = array<i32>} : memref<512xi32, #tpu.memory_space<vmem>>, vector<16xi32>,
    %swap3A_379 = vector.shape_cast %swap3A_378 : vector<16xi32> to vector<16xi32>
    %swap3A_380 = vector.shape_cast %add3A_376 : vector<16xi32> to vector<16xi32>
    tpu.vector_store %arg10[%swap3A_377], %swap3A_380 {strides = array<i32>} : memref<512xi32, #tpu.memory_space<vmem>>, vector<16xi32>,
    %get3A_381 = arith.constant 64 : index
    %get3A_382 = tpu.vector_load %arg10[%get3A_381] {strides = array<i32>} : memref<512xi32, #tpu.memory_space<vmem>>, vector<16xi32>,
    %get3A_383 = vector.shape_cast %get3A_382 : vector<16xi32> to vector<16xi32>
    %add3A_384 = arith.constant 3700 : i32
    %add3A_385 = vector.broadcast %add3A_384 : i32 to vector<16xi32>
    %add3A_386 = arith.addi %get3A_383, %add3A_385 : vector<16xi32>
    %swap3A_387 = arith.constant 64 : index
    %swap3A_388 = tpu.vector_load %arg10[%swap3A_387] {strides = array<i32>} : memref<512xi32, #tpu.memory_space<vmem>>, vector<16xi32>,
    %swap3A_389 = vector.shape_cast %swap3A_388 : vector<16xi32> to vector<16xi32>
    %swap3A_390 = vector.shape_cast %add3A_386 : vector<16xi32> to vector<16xi32>
    tpu.vector_store %arg10[%swap3A_387], %swap3A_390 {strides = array<i32>} : memref<512xi32, #tpu.memory_space<vmem>>, vector<16xi32>,
    %get3A_391 = arith.constant 80 : index
    %get3A_392 = tpu.vector_load %arg10[%get3A_391] {strides = array<i32>} : memref<512xi32, #tpu.memory_space<vmem>>, vector<16xi32>,
    %get3A_393 = vector.shape_cast %get3A_392 : vector<16xi32> to vector<16xi32>
    %add3A_394 = arith.constant 3700 : i32
    %add3A_395 = vector.broadcast %add3A_394 : i32 to vector<16xi32>
    %add3A_396 = arith.addi %get3A_393, %add3A_395 : vector<16xi32>
    %swap3A_397 = arith.constant 80 : index
    %swap3A_398 = tpu.vector_load %arg10[%swap3A_397] {strides = array<i32>} : memref<512xi32, #tpu.memory_space<vmem>>, vector<16xi32>,
    %swap3A_399 = vector.shape_cast %swap3A_398 : vector<16xi32> to vector<16xi32>
    %swap3A_400 = vector.shape_cast %add3A_396 : vector<16xi32> to vector<16xi32>
    tpu.vector_store %arg10[%swap3A_397], %swap3A_400 {strides = array<i32>} : memref<512xi32, #tpu.memory_space<vmem>>, vector<16xi32>,
    %get3A_401 = arith.constant 96 : index
    %get3A_402 = tpu.vector_load %arg10[%get3A_401] {strides = array<i32>} : memref<512xi32, #tpu.memory_space<vmem>>, vector<16xi32>,
    %get3A_403 = vector.shape_cast %get3A_402 : vector<16xi32> to vector<16xi32>
    %add3A_404 = arith.constant 3700 : i32
    %add3A_405 = vector.broadcast %add3A_404 : i32 to vector<16xi32>
    %add3A_406 = arith.addi %get3A_403, %add3A_405 : vector<16xi32>
    %swap3A_407 = arith.constant 96 : index
    %swap3A_408 = tpu.vector_load %arg10[%swap3A_407] {strides = array<i32>} : memref<512xi32, #tpu.memory_space<vmem>>, vector<16xi32>,
    %swap3A_409 = vector.shape_cast %swap3A_408 : vector<16xi32> to vector<16xi32>
    %swap3A_410 = vector.shape_cast %add3A_406 : vector<16xi32> to vector<16xi32>
    tpu.vector_store %arg10[%swap3A_407], %swap3A_410 {strides = array<i32>} : memref<512xi32, #tpu.memory_space<vmem>>, vector<16xi32>,
    %get3A_411 = arith.constant 112 : index
    %get3A_412 = tpu.vector_load %arg10[%get3A_411] {strides = array<i32>} : memref<512xi32, #tpu.memory_space<vmem>>, vector<16xi32>,
    %get3A_413 = vector.shape_cast %get3A_412 : vector<16xi32> to vector<16xi32>
    %add3A_414 = arith.constant 3700 : i32
    %add3A_415 = vector.broadcast %add3A_414 : i32 to vector<16xi32>
    %add3A_416 = arith.addi %get3A_413, %add3A_415 : vector<16xi32>
    %swap3A_417 = arith.constant 112 : index
    %swap3A_418 = tpu.vector_load %arg10[%swap3A_417] {strides = array<i32>} : memref<512xi32, #tpu.memory_space<vmem>>, vector<16xi32>,
    %swap3A_419 = vector.shape_cast %swap3A_418 : vector<16xi32> to vector<16xi32>
    %swap3A_420 = vector.shape_cast %add3A_416 : vector<16xi32> to vector<16xi32>
    tpu.vector_store %arg10[%swap3A_417], %swap3A_420 {strides = array<i32>} : memref<512xi32, #tpu.memory_space<vmem>>, vector<16xi32>,
    %get3A_421 = arith.constant 128 : index
    %get3A_422 = tpu.vector_load %arg10[%get3A_421] {strides = array<i32>} : memref<512xi32, #tpu.memory_space<vmem>>, vector<16xi32>,
    %get3A_423 = vector.shape_cast %get3A_422 : vector<16xi32> to vector<16xi32>
    %add3A_424 = arith.constant 3700 : i32
    %add3A_425 = vector.broadcast %add3A_424 : i32 to vector<16xi32>
    %add3A_426 = arith.addi %get3A_423, %add3A_425 : vector<16xi32>
    %swap3A_427 = arith.constant 128 : index
    %swap3A_428 = tpu.vector_load %arg10[%swap3A_427] {strides = array<i32>} : memref<512xi32, #tpu.memory_space<vmem>>, vector<16xi32>,
    %swap3A_429 = vector.shape_cast %swap3A_428 : vector<16xi32> to vector<16xi32>
    %swap3A_430 = vector.shape_cast %add3A_426 : vector<16xi32> to vector<16xi32>
    tpu.vector_store %arg10[%swap3A_427], %swap3A_430 {strides = array<i32>} : memref<512xi32, #tpu.memory_space<vmem>>, vector<16xi32>,
    %get3A_431 = arith.constant 144 : index
    %get3A_432 = tpu.vector_load %arg10[%get3A_431] {strides = array<i32>} : memref<512xi32, #tpu.memory_space<vmem>>, vector<16xi32>,
    %get3A_433 = vector.shape_cast %get3A_432 : vector<16xi32> to vector<16xi32>
    %add3A_434 = arith.constant 3700 : i32
    %add3A_435 = vector.broadcast %add3A_434 : i32 to vector<16xi32>
    %add3A_436 = arith.addi %get3A_433, %add3A_435 : vector<16xi32>
    %swap3A_437 = arith.constant 144 : index
    %swap3A_438 = tpu.vector_load %arg10[%swap3A_437] {strides = array<i32>} : memref<512xi32, #tpu.memory_space<vmem>>, vector<16xi32>,
    %swap3A_439 = vector.shape_cast %swap3A_438 : vector<16xi32> to vector<16xi32>
    %swap3A_440 = vector.shape_cast %add3A_436 : vector<16xi32> to vector<16xi32>
    tpu.vector_store %arg10[%swap3A_437], %swap3A_440 {strides = array<i32>} : memref<512xi32, #tpu.memory_space<vmem>>, vector<16xi32>,
    %get3A_441 = arith.constant 160 : index
    %get3A_442 = tpu.vector_load %arg10[%get3A_441] {strides = array<i32>} : memref<512xi32, #tpu.memory_space<vmem>>, vector<16xi32>,
    %get3A_443 = vector.shape_cast %get3A_442 : vector<16xi32> to vector<16xi32>
    %add3A_444 = arith.constant 3700 : i32
    %add3A_445 = vector.broadcast %add3A_444 : i32 to vector<16xi32>
    %add3A_446 = arith.addi %get3A_443, %add3A_445 : vector<16xi32>
    %swap3A_447 = arith.constant 160 : index
    %swap3A_448 = tpu.vector_load %arg10[%swap3A_447] {strides = array<i32>} : memref<512xi32, #tpu.memory_space<vmem>>, vector<16xi32>,
    %swap3A_449 = vector.shape_cast %swap3A_448 : vector<16xi32> to vector<16xi32>
    %swap3A_450 = vector.shape_cast %add3A_446 : vector<16xi32> to vector<16xi32>
    tpu.vector_store %arg10[%swap3A_447], %swap3A_450 {strides = array<i32>} : memref<512xi32, #tpu.memory_space<vmem>>, vector<16xi32>,
    %get3A_451 = arith.constant 176 : index
    %get3A_452 = tpu.vector_load %arg10[%get3A_451] {strides = array<i32>} : memref<512xi32, #tpu.memory_space<vmem>>, vector<16xi32>,
    %get3A_453 = vector.shape_cast %get3A_452 : vector<16xi32> to vector<16xi32>
    %add3A_454 = arith.constant 3700 : i32
    %add3A_455 = vector.broadcast %add3A_454 : i32 to vector<16xi32>
    %add3A_456 = arith.addi %get3A_453, %add3A_455 : vector<16xi32>
    %swap3A_457 = arith.constant 176 : index
    %swap3A_458 = tpu.vector_load %arg10[%swap3A_457] {strides = array<i32>} : memref<512xi32, #tpu.memory_space<vmem>>, vector<16xi32>,
    %swap3A_459 = vector.shape_cast %swap3A_458 : vector<16xi32> to vector<16xi32>
    %swap3A_460 = vector.shape_cast %add3A_456 : vector<16xi32> to vector<16xi32>
    tpu.vector_store %arg10[%swap3A_457], %swap3A_460 {strides = array<i32>} : memref<512xi32, #tpu.memory_space<vmem>>, vector<16xi32>,
    %get3A_461 = arith.constant 192 : index
    %get3A_462 = tpu.vector_load %arg10[%get3A_461] {strides = array<i32>} : memref<512xi32, #tpu.memory_space<vmem>>, vector<16xi32>,
    %get3A_463 = vector.shape_cast %get3A_462 : vector<16xi32> to vector<16xi32>
    %add3A_464 = arith.constant 3700 : i32
    %add3A_465 = vector.broadcast %add3A_464 : i32 to vector<16xi32>
    %add3A_466 = arith.addi %get3A_463, %add3A_465 : vector<16xi32>
    %swap3A_467 = arith.constant 192 : index
    %swap3A_468 = tpu.vector_load %arg10[%swap3A_467] {strides = array<i32>} : memref<512xi32, #tpu.memory_space<vmem>>, vector<16xi32>,
    %swap3A_469 = vector.shape_cast %swap3A_468 : vector<16xi32> to vector<16xi32>
    %swap3A_470 = vector.shape_cast %add3A_466 : vector<16xi32> to vector<16xi32>
    tpu.vector_store %arg10[%swap3A_467], %swap3A_470 {strides = array<i32>} : memref<512xi32, #tpu.memory_space<vmem>>, vector<16xi32>,
    %get3A_471 = arith.constant 208 : index
    %get3A_472 = tpu.vector_load %arg10[%get3A_471] {strides = array<i32>} : memref<512xi32, #tpu.memory_space<vmem>>, vector<16xi32>,
    %get3A_473 = vector.shape_cast %get3A_472 : vector<16xi32> to vector<16xi32>
    %add3A_474 = arith.constant 3700 : i32
    %add3A_475 = vector.broadcast %add3A_474 : i32 to vector<16xi32>
    %add3A_476 = arith.addi %get3A_473, %add3A_475 : vector<16xi32>
    %swap3A_477 = arith.constant 208 : index
    %swap3A_478 = tpu.vector_load %arg10[%swap3A_477] {strides = array<i32>} : memref<512xi32, #tpu.memory_space<vmem>>, vector<16xi32>,
    %swap3A_479 = vector.shape_cast %swap3A_478 : vector<16xi32> to vector<16xi32>
    %swap3A_480 = vector.shape_cast %add3A_476 : vector<16xi32> to vector<16xi32>
    tpu.vector_store %arg10[%swap3A_477], %swap3A_480 {strides = array<i32>} : memref<512xi32, #tpu.memory_space<vmem>>, vector<16xi32>,
    %get3A_481 = arith.constant 224 : index
    %get3A_482 = tpu.vector_load %arg10[%get3A_481] {strides = array<i32>} : memref<512xi32, #tpu.memory_space<vmem>>, vector<16xi32>,
    %get3A_483 = vector.shape_cast %get3A_482 : vector<16xi32> to vector<16xi32>
    %add3A_484 = arith.constant 3700 : i32
    %add3A_485 = vector.broadcast %add3A_484 : i32 to vector<16xi32>
    %add3A_486 = arith.addi %get3A_483, %add3A_485 : vector<16xi32>
    %swap3A_487 = arith.constant 224 : index
    %swap3A_488 = tpu.vector_load %arg10[%swap3A_487] {strides = array<i32>} : memref<512xi32, #tpu.memory_space<vmem>>, vector<16xi32>,
    %swap3A_489 = vector.shape_cast %swap3A_488 : vector<16xi32> to vector<16xi32>
    %swap3A_490 = vector.shape_cast %add3A_486 : vector<16xi32> to vector<16xi32>
    tpu.vector_store %arg10[%swap3A_487], %swap3A_490 {strides = array<i32>} : memref<512xi32, #tpu.memory_space<vmem>>, vector<16xi32>,
    %get3A_491 = arith.constant 240 : index
    %get3A_492 = tpu.vector_load %arg10[%get3A_491] {strides = array<i32>} : memref<512xi32, #tpu.memory_space<vmem>>, vector<16xi32>,
    %get3A_493 = vector.shape_cast %get3A_492 : vector<16xi32> to vector<16xi32>
    %add3A_494 = arith.constant 3700 : i32
    %add3A_495 = vector.broadcast %add3A_494 : i32 to vector<16xi32>
    %add3A_496 = arith.addi %get3A_493, %add3A_495 : vector<16xi32>
    %swap3A_497 = arith.constant 240 : index
    %swap3A_498 = tpu.vector_load %arg10[%swap3A_497] {strides = array<i32>} : memref<512xi32, #tpu.memory_space<vmem>>, vector<16xi32>,
    %swap3A_499 = vector.shape_cast %swap3A_498 : vector<16xi32> to vector<16xi32>
    %swap3A_500 = vector.shape_cast %add3A_496 : vector<16xi32> to vector<16xi32>
    tpu.vector_store %arg10[%swap3A_497], %swap3A_500 {strides = array<i32>} : memref<512xi32, #tpu.memory_space<vmem>>, vector<16xi32>,
    %get3A_501 = arith.constant 256 : index
    %get3A_502 = tpu.vector_load %arg10[%get3A_501] {strides = array<i32>} : memref<512xi32, #tpu.memory_space<vmem>>, vector<16xi32>,
    %get3A_503 = vector.shape_cast %get3A_502 : vector<16xi32> to vector<16xi32>
    %add3A_504 = arith.constant 3700 : i32
    %add3A_505 = vector.broadcast %add3A_504 : i32 to vector<16xi32>
    %add3A_506 = arith.addi %get3A_503, %add3A_505 : vector<16xi32>
    %swap3A_507 = arith.constant 256 : index
    %swap3A_508 = tpu.vector_load %arg10[%swap3A_507] {strides = array<i32>} : memref<512xi32, #tpu.memory_space<vmem>>, vector<16xi32>,
    %swap3A_509 = vector.shape_cast %swap3A_508 : vector<16xi32> to vector<16xi32>
    %swap3A_510 = vector.shape_cast %add3A_506 : vector<16xi32> to vector<16xi32>
    tpu.vector_store %arg10[%swap3A_507], %swap3A_510 {strides = array<i32>} : memref<512xi32, #tpu.memory_space<vmem>>, vector<16xi32>,
    %get3A_511 = arith.constant 272 : index
    %get3A_512 = tpu.vector_load %arg10[%get3A_511] {strides = array<i32>} : memref<512xi32, #tpu.memory_space<vmem>>, vector<16xi32>,
    %get3A_513 = vector.shape_cast %get3A_512 : vector<16xi32> to vector<16xi32>
    %add3A_514 = arith.constant 3700 : i32
    %add3A_515 = vector.broadcast %add3A_514 : i32 to vector<16xi32>
    %add3A_516 = arith.addi %get3A_513, %add3A_515 : vector<16xi32>
    %swap3A_517 = arith.constant 272 : index
    %swap3A_518 = tpu.vector_load %arg10[%swap3A_517] {strides = array<i32>} : memref<512xi32, #tpu.memory_space<vmem>>, vector<16xi32>,
    %swap3A_519 = vector.shape_cast %swap3A_518 : vector<16xi32> to vector<16xi32>
    %swap3A_520 = vector.shape_cast %add3A_516 : vector<16xi32> to vector<16xi32>
    tpu.vector_store %arg10[%swap3A_517], %swap3A_520 {strides = array<i32>} : memref<512xi32, #tpu.memory_space<vmem>>, vector<16xi32>,
    %get3A_521 = arith.constant 288 : index
    %get3A_522 = tpu.vector_load %arg10[%get3A_521] {strides = array<i32>} : memref<512xi32, #tpu.memory_space<vmem>>, vector<16xi32>,
    %get3A_523 = vector.shape_cast %get3A_522 : vector<16xi32> to vector<16xi32>
    %add3A_524 = arith.constant 3700 : i32
    %add3A_525 = vector.broadcast %add3A_524 : i32 to vector<16xi32>
    %add3A_526 = arith.addi %get3A_523, %add3A_525 : vector<16xi32>
    %swap3A_527 = arith.constant 288 : index
    %swap3A_528 = tpu.vector_load %arg10[%swap3A_527] {strides = array<i32>} : memref<512xi32, #tpu.memory_space<vmem>>, vector<16xi32>,
    %swap3A_529 = vector.shape_cast %swap3A_528 : vector<16xi32> to vector<16xi32>
    %swap3A_530 = vector.shape_cast %add3A_526 : vector<16xi32> to vector<16xi32>
    tpu.vector_store %arg10[%swap3A_527], %swap3A_530 {strides = array<i32>} : memref<512xi32, #tpu.memory_space<vmem>>, vector<16xi32>,
    %get3A_531 = arith.constant 304 : index
    %get3A_532 = tpu.vector_load %arg10[%get3A_531] {strides = array<i32>} : memref<512xi32, #tpu.memory_space<vmem>>, vector<16xi32>,
    %get3A_533 = vector.shape_cast %get3A_532 : vector<16xi32> to vector<16xi32>
    %add3A_534 = arith.constant 3700 : i32
    %add3A_535 = vector.broadcast %add3A_534 : i32 to vector<16xi32>
    %add3A_536 = arith.addi %get3A_533, %add3A_535 : vector<16xi32>
    %swap3A_537 = arith.constant 304 : index
    %swap3A_538 = tpu.vector_load %arg10[%swap3A_537] {strides = array<i32>} : memref<512xi32, #tpu.memory_space<vmem>>, vector<16xi32>,
    %swap3A_539 = vector.shape_cast %swap3A_538 : vector<16xi32> to vector<16xi32>
    %swap3A_540 = vector.shape_cast %add3A_536 : vector<16xi32> to vector<16xi32>
    tpu.vector_store %arg10[%swap3A_537], %swap3A_540 {strides = array<i32>} : memref<512xi32, #tpu.memory_space<vmem>>, vector<16xi32>,
    %get3A_541 = arith.constant 320 : index
    %get3A_542 = tpu.vector_load %arg10[%get3A_541] {strides = array<i32>} : memref<512xi32, #tpu.memory_space<vmem>>, vector<16xi32>,
    %get3A_543 = vector.shape_cast %get3A_542 : vector<16xi32> to vector<16xi32>
    %add3A_544 = arith.constant 3700 : i32
    %add3A_545 = vector.broadcast %add3A_544 : i32 to vector<16xi32>
    %add3A_546 = arith.addi %get3A_543, %add3A_545 : vector<16xi32>
    %swap3A_547 = arith.constant 320 : index
    %swap3A_548 = tpu.vector_load %arg10[%swap3A_547] {strides = array<i32>} : memref<512xi32, #tpu.memory_space<vmem>>, vector<16xi32>,
    %swap3A_549 = vector.shape_cast %swap3A_548 : vector<16xi32> to vector<16xi32>
    %swap3A_550 = vector.shape_cast %add3A_546 : vector<16xi32> to vector<16xi32>
    tpu.vector_store %arg10[%swap3A_547], %swap3A_550 {strides = array<i32>} : memref<512xi32, #tpu.memory_space<vmem>>, vector<16xi32>,
    %get3A_551 = arith.constant 336 : index
    %get3A_552 = tpu.vector_load %arg10[%get3A_551] {strides = array<i32>} : memref<512xi32, #tpu.memory_space<vmem>>, vector<16xi32>,
    %get3A_553 = vector.shape_cast %get3A_552 : vector<16xi32> to vector<16xi32>
    %add3A_554 = arith.constant 3700 : i32
    %add3A_555 = vector.broadcast %add3A_554 : i32 to vector<16xi32>
    %add3A_556 = arith.addi %get3A_553, %add3A_555 : vector<16xi32>
    %swap3A_557 = arith.constant 336 : index
    %swap3A_558 = tpu.vector_load %arg10[%swap3A_557] {strides = array<i32>} : memref<512xi32, #tpu.memory_space<vmem>>, vector<16xi32>,
    %swap3A_559 = vector.shape_cast %swap3A_558 : vector<16xi32> to vector<16xi32>
    %swap3A_560 = vector.shape_cast %add3A_556 : vector<16xi32> to vector<16xi32>
    tpu.vector_store %arg10[%swap3A_557], %swap3A_560 {strides = array<i32>} : memref<512xi32, #tpu.memory_space<vmem>>, vector<16xi32>,
    %get3A_561 = arith.constant 352 : index
    %get3A_562 = tpu.vector_load %arg10[%get3A_561] {strides = array<i32>} : memref<512xi32, #tpu.memory_space<vmem>>, vector<16xi32>,
    %get3A_563 = vector.shape_cast %get3A_562 : vector<16xi32> to vector<16xi32>
    %add3A_564 = arith.constant 3700 : i32
    %add3A_565 = vector.broadcast %add3A_564 : i32 to vector<16xi32>
    %add3A_566 = arith.addi %get3A_563, %add3A_565 : vector<16xi32>
    %swap3A_567 = arith.constant 352 : index
    %swap3A_568 = tpu.vector_load %arg10[%swap3A_567] {strides = array<i32>} : memref<512xi32, #tpu.memory_space<vmem>>, vector<16xi32>,
    %swap3A_569 = vector.shape_cast %swap3A_568 : vector<16xi32> to vector<16xi32>
    %swap3A_570 = vector.shape_cast %add3A_566 : vector<16xi32> to vector<16xi32>
    tpu.vector_store %arg10[%swap3A_567], %swap3A_570 {strides = array<i32>} : memref<512xi32, #tpu.memory_space<vmem>>, vector<16xi32>,
    %get3A_571 = arith.constant 368 : index
    %get3A_572 = tpu.vector_load %arg10[%get3A_571] {strides = array<i32>} : memref<512xi32, #tpu.memory_space<vmem>>, vector<16xi32>,
    %get3A_573 = vector.shape_cast %get3A_572 : vector<16xi32> to vector<16xi32>
    %add3A_574 = arith.constant 3700 : i32
    %add3A_575 = vector.broadcast %add3A_574 : i32 to vector<16xi32>
    %add3A_576 = arith.addi %get3A_573, %add3A_575 : vector<16xi32>
    %swap3A_577 = arith.constant 368 : index
    %swap3A_578 = tpu.vector_load %arg10[%swap3A_577] {strides = array<i32>} : memref<512xi32, #tpu.memory_space<vmem>>, vector<16xi32>,
    %swap3A_579 = vector.shape_cast %swap3A_578 : vector<16xi32> to vector<16xi32>
    %swap3A_580 = vector.shape_cast %add3A_576 : vector<16xi32> to vector<16xi32>
    tpu.vector_store %arg10[%swap3A_577], %swap3A_580 {strides = array<i32>} : memref<512xi32, #tpu.memory_space<vmem>>, vector<16xi32>,
    %get3A_581 = arith.constant 384 : index
    %get3A_582 = tpu.vector_load %arg10[%get3A_581] {strides = array<i32>} : memref<512xi32, #tpu.memory_space<vmem>>, vector<16xi32>,
    %get3A_583 = vector.shape_cast %get3A_582 : vector<16xi32> to vector<16xi32>
    %add3A_584 = arith.constant 3700 : i32
    %add3A_585 = vector.broadcast %add3A_584 : i32 to vector<16xi32>
    %add3A_586 = arith.addi %get3A_583, %add3A_585 : vector<16xi32>
    %swap3A_587 = arith.constant 384 : index
    %swap3A_588 = tpu.vector_load %arg10[%swap3A_587] {strides = array<i32>} : memref<512xi32, #tpu.memory_space<vmem>>, vector<16xi32>,
    %swap3A_589 = vector.shape_cast %swap3A_588 : vector<16xi32> to vector<16xi32>
    %swap3A_590 = vector.shape_cast %add3A_586 : vector<16xi32> to vector<16xi32>
    tpu.vector_store %arg10[%swap3A_587], %swap3A_590 {strides = array<i32>} : memref<512xi32, #tpu.memory_space<vmem>>, vector<16xi32>,
    %get3A_591 = arith.constant 400 : index
    %get3A_592 = tpu.vector_load %arg10[%get3A_591] {strides = array<i32>} : memref<512xi32, #tpu.memory_space<vmem>>, vector<16xi32>,
    %get3A_593 = vector.shape_cast %get3A_592 : vector<16xi32> to vector<16xi32>
    %add3A_594 = arith.constant 3700 : i32
    %add3A_595 = vector.broadcast %add3A_594 : i32 to vector<16xi32>
    %add3A_596 = arith.addi %get3A_593, %add3A_595 : vector<16xi32>
    %swap3A_597 = arith.constant 400 : index
    %swap3A_598 = tpu.vector_load %arg10[%swap3A_597] {strides = array<i32>} : memref<512xi32, #tpu.memory_space<vmem>>, vector<16xi32>,
    %swap3A_599 = vector.shape_cast %swap3A_598 : vector<16xi32> to vector<16xi32>
    %swap3A_600 = vector.shape_cast %add3A_596 : vector<16xi32> to vector<16xi32>
    tpu.vector_store %arg10[%swap3A_597], %swap3A_600 {strides = array<i32>} : memref<512xi32, #tpu.memory_space<vmem>>, vector<16xi32>,
    %get3A_601 = arith.constant 416 : index
    %get3A_602 = tpu.vector_load %arg10[%get3A_601] {strides = array<i32>} : memref<512xi32, #tpu.memory_space<vmem>>, vector<16xi32>,
    %get3A_603 = vector.shape_cast %get3A_602 : vector<16xi32> to vector<16xi32>
    %add3A_604 = arith.constant 3700 : i32
    %add3A_605 = vector.broadcast %add3A_604 : i32 to vector<16xi32>
    %add3A_606 = arith.addi %get3A_603, %add3A_605 : vector<16xi32>
    %swap3A_607 = arith.constant 416 : index
    %swap3A_608 = tpu.vector_load %arg10[%swap3A_607] {strides = array<i32>} : memref<512xi32, #tpu.memory_space<vmem>>, vector<16xi32>,
    %swap3A_609 = vector.shape_cast %swap3A_608 : vector<16xi32> to vector<16xi32>
    %swap3A_610 = vector.shape_cast %add3A_606 : vector<16xi32> to vector<16xi32>
    tpu.vector_store %arg10[%swap3A_607], %swap3A_610 {strides = array<i32>} : memref<512xi32, #tpu.memory_space<vmem>>, vector<16xi32>,
    %get3A_611 = arith.constant 432 : index
    %get3A_612 = tpu.vector_load %arg10[%get3A_611] {strides = array<i32>} : memref<512xi32, #tpu.memory_space<vmem>>, vector<16xi32>,
    %get3A_613 = vector.shape_cast %get3A_612 : vector<16xi32> to vector<16xi32>
    %add3A_614 = arith.constant 3700 : i32
    %add3A_615 = vector.broadcast %add3A_614 : i32 to vector<16xi32>
    %add3A_616 = arith.addi %get3A_613, %add3A_615 : vector<16xi32>
    %swap3A_617 = arith.constant 432 : index
    %swap3A_618 = tpu.vector_load %arg10[%swap3A_617] {strides = array<i32>} : memref<512xi32, #tpu.memory_space<vmem>>, vector<16xi32>,
    %swap3A_619 = vector.shape_cast %swap3A_618 : vector<16xi32> to vector<16xi32>
    %swap3A_620 = vector.shape_cast %add3A_616 : vector<16xi32> to vector<16xi32>
    tpu.vector_store %arg10[%swap3A_617], %swap3A_620 {strides = array<i32>} : memref<512xi32, #tpu.memory_space<vmem>>, vector<16xi32>,
    %get3A_621 = arith.constant 448 : index
    %get3A_622 = tpu.vector_load %arg10[%get3A_621] {strides = array<i32>} : memref<512xi32, #tpu.memory_space<vmem>>, vector<16xi32>,
    %get3A_623 = vector.shape_cast %get3A_622 : vector<16xi32> to vector<16xi32>
    %add3A_624 = arith.constant 3700 : i32
    %add3A_625 = vector.broadcast %add3A_624 : i32 to vector<16xi32>
    %add3A_626 = arith.addi %get3A_623, %add3A_625 : vector<16xi32>
    %swap3A_627 = arith.constant 448 : index
    %swap3A_628 = tpu.vector_load %arg10[%swap3A_627] {strides = array<i32>} : memref<512xi32, #tpu.memory_space<vmem>>, vector<16xi32>,
    %swap3A_629 = vector.shape_cast %swap3A_628 : vector<16xi32> to vector<16xi32>
    %swap3A_630 = vector.shape_cast %add3A_626 : vector<16xi32> to vector<16xi32>
    tpu.vector_store %arg10[%swap3A_627], %swap3A_630 {strides = array<i32>} : memref<512xi32, #tpu.memory_space<vmem>>, vector<16xi32>,
    %get3A_631 = arith.constant 464 : index
    %get3A_632 = tpu.vector_load %arg10[%get3A_631] {strides = array<i32>} : memref<512xi32, #tpu.memory_space<vmem>>, vector<16xi32>,
    %get3A_633 = vector.shape_cast %get3A_632 : vector<16xi32> to vector<16xi32>
    %add3A_634 = arith.constant 3700 : i32
    %add3A_635 = vector.broadcast %add3A_634 : i32 to vector<16xi32>
    %add3A_636 = arith.addi %get3A_633, %add3A_635 : vector<16xi32>
    %swap3A_637 = arith.constant 464 : index
    %swap3A_638 = tpu.vector_load %arg10[%swap3A_637] {strides = array<i32>} : memref<512xi32, #tpu.memory_space<vmem>>, vector<16xi32>,
    %swap3A_639 = vector.shape_cast %swap3A_638 : vector<16xi32> to vector<16xi32>
    %swap3A_640 = vector.shape_cast %add3A_636 : vector<16xi32> to vector<16xi32>
    tpu.vector_store %arg10[%swap3A_637], %swap3A_640 {strides = array<i32>} : memref<512xi32, #tpu.memory_space<vmem>>, vector<16xi32>,
    %get3A_641 = arith.constant 480 : index
    %get3A_642 = tpu.vector_load %arg10[%get3A_641] {strides = array<i32>} : memref<512xi32, #tpu.memory_space<vmem>>, vector<16xi32>,
    %get3A_643 = vector.shape_cast %get3A_642 : vector<16xi32> to vector<16xi32>
    %add3A_644 = arith.constant 3700 : i32
    %add3A_645 = vector.broadcast %add3A_644 : i32 to vector<16xi32>
    %add3A_646 = arith.addi %get3A_643, %add3A_645 : vector<16xi32>
    %swap3A_647 = arith.constant 480 : index
    %swap3A_648 = tpu.vector_load %arg10[%swap3A_647] {strides = array<i32>} : memref<512xi32, #tpu.memory_space<vmem>>, vector<16xi32>,
    %swap3A_649 = vector.shape_cast %swap3A_648 : vector<16xi32> to vector<16xi32>
    %swap3A_650 = vector.shape_cast %add3A_646 : vector<16xi32> to vector<16xi32>
    tpu.vector_store %arg10[%swap3A_647], %swap3A_650 {strides = array<i32>} : memref<512xi32, #tpu.memory_space<vmem>>, vector<16xi32>,
    %get3A_651 = arith.constant 496 : index
    %get3A_652 = tpu.vector_load %arg10[%get3A_651] {strides = array<i32>} : memref<512xi32, #tpu.memory_space<vmem>>, vector<16xi32>,
    %get3A_653 = vector.shape_cast %get3A_652 : vector<16xi32> to vector<16xi32>
    %add3A_654 = arith.constant 3700 : i32
    %add3A_655 = vector.broadcast %add3A_654 : i32 to vector<16xi32>
    %add3A_656 = arith.addi %get3A_653, %add3A_655 : vector<16xi32>
    %swap3A_657 = arith.constant 496 : index
    %swap3A_658 = tpu.vector_load %arg10[%swap3A_657] {strides = array<i32>} : memref<512xi32, #tpu.memory_space<vmem>>, vector<16xi32>,
    %swap3A_659 = vector.shape_cast %swap3A_658 : vector<16xi32> to vector<16xi32>
    %swap3A_660 = vector.shape_cast %add3A_656 : vector<16xi32> to vector<16xi32>
    tpu.vector_store %arg10[%swap3A_657], %swap3A_660 {strides = array<i32>} : memref<512xi32, #tpu.memory_space<vmem>>, vector<16xi32>,
    %barrier3A = arith.constant 0 : index
    tpu.barrier barrier_id(%barrier3A)
    %dma_start3A_661 = arith.constant 0 : i32
    %dma_start3A_662 = arith.constant 0 : i32
    %dma_start3A_663 = tpu.memref_slice %arg11[%dma_start3A_661, %dma_start3A_662] : memref<512x16xf32, #tpu.memory_space<vmem>> -> memref<128x16xf32, #tpu.memory_space<vmem>>
    %dma_start3A_664 = arith.constant 0 : i32
    %dma_start3A_665 = tpu.memref_slice %arg8[%dma_start3A_664] : memref<512xi32, #tpu.memory_space<vmem>> -> memref<128xi32, #tpu.memory_space<vmem>>
    %dma_start3A_666 = arith.constant 0 : i32
    %dma_start3A_667 = arith.constant 0 : i32
    %dma_start3A_668 = tpu.memref_slice %arg7[%dma_start3A_666, %dma_start3A_667] : memref<3744x16xf32, #tpu.memory_space<vmem_shared>> -> memref<3744x16xf32, #tpu.memory_space<vmem_shared>>
    tpu.enqueue_indirect_dma source(%dma_start3A_668 : memref<3744x16xf32, #tpu.memory_space<vmem_shared>>) target(%dma_start3A_663 : memref<128x16xf32, #tpu.memory_space<vmem>>) offsets(%dma_start3A_665 : memref<128xi32, #tpu.memory_space<vmem>>) semaphore(%arg15 : memref<!tpu.dma_semaphore, #tpu.memory_space<semaphore_mem>>)
    %dma_start3A_669 = arith.constant 0 : i32
    %dma_start3A_670 = arith.constant 0 : i32
    %dma_start3A_671 = tpu.memref_slice %arg12[%dma_start3A_669, %dma_start3A_670] : memref<512x16xf32, #tpu.memory_space<vmem>> -> memref<128x16xf32, #tpu.memory_space<vmem>>
    %dma_start3A_672 = arith.constant 0 : i32
    %dma_start3A_673 = tpu.memref_slice %arg9[%dma_start3A_672] : memref<512xi32, #tpu.memory_space<vmem>> -> memref<128xi32, #tpu.memory_space<vmem>>
    %dma_start3A_674 = arith.constant 0 : i32
    %dma_start3A_675 = arith.constant 0 : i32
    %dma_start3A_676 = tpu.memref_slice %arg7[%dma_start3A_674, %dma_start3A_675] : memref<3744x16xf32, #tpu.memory_space<vmem_shared>> -> memref<3744x16xf32, #tpu.memory_space<vmem_shared>>
    tpu.enqueue_indirect_dma source(%dma_start3A_676 : memref<3744x16xf32, #tpu.memory_space<vmem_shared>>) target(%dma_start3A_671 : memref<128x16xf32, #tpu.memory_space<vmem>>) offsets(%dma_start3A_673 : memref<128xi32, #tpu.memory_space<vmem>>) semaphore(%arg15 : memref<!tpu.dma_semaphore, #tpu.memory_space<semaphore_mem>>)
    %dma_start3A_677 = arith.constant 0 : i32
    %dma_start3A_678 = arith.constant 0 : i32
    %dma_start3A_679 = tpu.memref_slice %arg13[%dma_start3A_677, %dma_start3A_678] : memref<512x16xf32, #tpu.memory_space<vmem>> -> memref<128x16xf32, #tpu.memory_space<vmem>>
    %dma_start3A_680 = arith.constant 0 : i32
    %dma_start3A_681 = tpu.memref_slice %arg10[%dma_start3A_680] : memref<512xi32, #tpu.memory_space<vmem>> -> memref<128xi32, #tpu.memory_space<vmem>>
    %dma_start3A_682 = arith.constant 0 : i32
    %dma_start3A_683 = arith.constant 0 : i32
    %dma_start3A_684 = tpu.memref_slice %arg7[%dma_start3A_682, %dma_start3A_683] : memref<3744x16xf32, #tpu.memory_space<vmem_shared>> -> memref<3744x16xf32, #tpu.memory_space<vmem_shared>>
    tpu.enqueue_indirect_dma source(%dma_start3A_684 : memref<3744x16xf32, #tpu.memory_space<vmem_shared>>) target(%dma_start3A_679 : memref<128x16xf32, #tpu.memory_space<vmem>>) offsets(%dma_start3A_681 : memref<128xi32, #tpu.memory_space<vmem>>) semaphore(%arg15 : memref<!tpu.dma_semaphore, #tpu.memory_space<semaphore_mem>>)
    %dma_start3A_685 = arith.constant 128 : i32
    %dma_start3A_686 = arith.constant 0 : i32
    %dma_start3A_687 = tpu.memref_slice %arg11[%dma_start3A_685, %dma_start3A_686] : memref<512x16xf32, #tpu.memory_space<vmem>> -> memref<128x16xf32, #tpu.memory_space<vmem>>
    %dma_start3A_688 = arith.constant 128 : i32
    %dma_start3A_689 = tpu.memref_slice %arg8[%dma_start3A_688] : memref<512xi32, #tpu.memory_space<vmem>> -> memref<128xi32, #tpu.memory_space<vmem>>
    %dma_start3A_690 = arith.constant 0 : i32
    %dma_start3A_691 = arith.constant 0 : i32
    %dma_start3A_692 = tpu.memref_slice %arg7[%dma_start3A_690, %dma_start3A_691] : memref<3744x16xf32, #tpu.memory_space<vmem_shared>> -> memref<3744x16xf32, #tpu.memory_space<vmem_shared>>
    tpu.enqueue_indirect_dma source(%dma_start3A_692 : memref<3744x16xf32, #tpu.memory_space<vmem_shared>>) target(%dma_start3A_687 : memref<128x16xf32, #tpu.memory_space<vmem>>) offsets(%dma_start3A_689 : memref<128xi32, #tpu.memory_space<vmem>>) semaphore(%arg15 : memref<!tpu.dma_semaphore, #tpu.memory_space<semaphore_mem>>)
    %dma_start3A_693 = arith.constant 128 : i32
    %dma_start3A_694 = arith.constant 0 : i32
    %dma_start3A_695 = tpu.memref_slice %arg12[%dma_start3A_693, %dma_start3A_694] : memref<512x16xf32, #tpu.memory_space<vmem>> -> memref<128x16xf32, #tpu.memory_space<vmem>>
    %dma_start3A_696 = arith.constant 128 : i32
    %dma_start3A_697 = tpu.memref_slice %arg9[%dma_start3A_696] : memref<512xi32, #tpu.memory_space<vmem>> -> memref<128xi32, #tpu.memory_space<vmem>>
    %dma_start3A_698 = arith.constant 0 : i32
    %dma_start3A_699 = arith.constant 0 : i32
    %dma_start3A_700 = tpu.memref_slice %arg7[%dma_start3A_698, %dma_start3A_699] : memref<3744x16xf32, #tpu.memory_space<vmem_shared>> -> memref<3744x16xf32, #tpu.memory_space<vmem_shared>>
    tpu.enqueue_indirect_dma source(%dma_start3A_700 : memref<3744x16xf32, #tpu.memory_space<vmem_shared>>) target(%dma_start3A_695 : memref<128x16xf32, #tpu.memory_space<vmem>>) offsets(%dma_start3A_697 : memref<128xi32, #tpu.memory_space<vmem>>) semaphore(%arg15 : memref<!tpu.dma_semaphore, #tpu.memory_space<semaphore_mem>>)
    %dma_start3A_701 = arith.constant 128 : i32
    %dma_start3A_702 = arith.constant 0 : i32
    %dma_start3A_703 = tpu.memref_slice %arg13[%dma_start3A_701, %dma_start3A_702] : memref<512x16xf32, #tpu.memory_space<vmem>> -> memref<128x16xf32, #tpu.memory_space<vmem>>
    %dma_start3A_704 = arith.constant 128 : i32
    %dma_start3A_705 = tpu.memref_slice %arg10[%dma_start3A_704] : memref<512xi32, #tpu.memory_space<vmem>> -> memref<128xi32, #tpu.memory_space<vmem>>
    %dma_start3A_706 = arith.constant 0 : i32
    %dma_start3A_707 = arith.constant 0 : i32
    %dma_start3A_708 = tpu.memref_slice %arg7[%dma_start3A_706, %dma_start3A_707] : memref<3744x16xf32, #tpu.memory_space<vmem_shared>> -> memref<3744x16xf32, #tpu.memory_space<vmem_shared>>
    tpu.enqueue_indirect_dma source(%dma_start3A_708 : memref<3744x16xf32, #tpu.memory_space<vmem_shared>>) target(%dma_start3A_703 : memref<128x16xf32, #tpu.memory_space<vmem>>) offsets(%dma_start3A_705 : memref<128xi32, #tpu.memory_space<vmem>>) semaphore(%arg15 : memref<!tpu.dma_semaphore, #tpu.memory_space<semaphore_mem>>)
    %dma_start3A_709 = arith.constant 256 : i32
    %dma_start3A_710 = arith.constant 0 : i32
    %dma_start3A_711 = tpu.memref_slice %arg11[%dma_start3A_709, %dma_start3A_710] : memref<512x16xf32, #tpu.memory_space<vmem>> -> memref<128x16xf32, #tpu.memory_space<vmem>>
    %dma_start3A_712 = arith.constant 256 : i32
    %dma_start3A_713 = tpu.memref_slice %arg8[%dma_start3A_712] : memref<512xi32, #tpu.memory_space<vmem>> -> memref<128xi32, #tpu.memory_space<vmem>>
    %dma_start3A_714 = arith.constant 0 : i32
    %dma_start3A_715 = arith.constant 0 : i32
    %dma_start3A_716 = tpu.memref_slice %arg7[%dma_start3A_714, %dma_start3A_715] : memref<3744x16xf32, #tpu.memory_space<vmem_shared>> -> memref<3744x16xf32, #tpu.memory_space<vmem_shared>>
    tpu.enqueue_indirect_dma source(%dma_start3A_716 : memref<3744x16xf32, #tpu.memory_space<vmem_shared>>) target(%dma_start3A_711 : memref<128x16xf32, #tpu.memory_space<vmem>>) offsets(%dma_start3A_713 : memref<128xi32, #tpu.memory_space<vmem>>) semaphore(%arg15 : memref<!tpu.dma_semaphore, #tpu.memory_space<semaphore_mem>>)
    %dma_start3A_717 = arith.constant 256 : i32
    %dma_start3A_718 = arith.constant 0 : i32
    %dma_start3A_719 = tpu.memref_slice %arg12[%dma_start3A_717, %dma_start3A_718] : memref<512x16xf32, #tpu.memory_space<vmem>> -> memref<128x16xf32, #tpu.memory_space<vmem>>
    %dma_start3A_720 = arith.constant 256 : i32
    %dma_start3A_721 = tpu.memref_slice %arg9[%dma_start3A_720] : memref<512xi32, #tpu.memory_space<vmem>> -> memref<128xi32, #tpu.memory_space<vmem>>
    %dma_start3A_722 = arith.constant 0 : i32
    %dma_start3A_723 = arith.constant 0 : i32
    %dma_start3A_724 = tpu.memref_slice %arg7[%dma_start3A_722, %dma_start3A_723] : memref<3744x16xf32, #tpu.memory_space<vmem_shared>> -> memref<3744x16xf32, #tpu.memory_space<vmem_shared>>
    tpu.enqueue_indirect_dma source(%dma_start3A_724 : memref<3744x16xf32, #tpu.memory_space<vmem_shared>>) target(%dma_start3A_719 : memref<128x16xf32, #tpu.memory_space<vmem>>) offsets(%dma_start3A_721 : memref<128xi32, #tpu.memory_space<vmem>>) semaphore(%arg15 : memref<!tpu.dma_semaphore, #tpu.memory_space<semaphore_mem>>)
    %dma_start3A_725 = arith.constant 256 : i32
    %dma_start3A_726 = arith.constant 0 : i32
    %dma_start3A_727 = tpu.memref_slice %arg13[%dma_start3A_725, %dma_start3A_726] : memref<512x16xf32, #tpu.memory_space<vmem>> -> memref<128x16xf32, #tpu.memory_space<vmem>>
    %dma_start3A_728 = arith.constant 256 : i32
    %dma_start3A_729 = tpu.memref_slice %arg10[%dma_start3A_728] : memref<512xi32, #tpu.memory_space<vmem>> -> memref<128xi32, #tpu.memory_space<vmem>>
    %dma_start3A_730 = arith.constant 0 : i32
    %dma_start3A_731 = arith.constant 0 : i32
    %dma_start3A_732 = tpu.memref_slice %arg7[%dma_start3A_730, %dma_start3A_731] : memref<3744x16xf32, #tpu.memory_space<vmem_shared>> -> memref<3744x16xf32, #tpu.memory_space<vmem_shared>>
    tpu.enqueue_indirect_dma source(%dma_start3A_732 : memref<3744x16xf32, #tpu.memory_space<vmem_shared>>) target(%dma_start3A_727 : memref<128x16xf32, #tpu.memory_space<vmem>>) offsets(%dma_start3A_729 : memref<128xi32, #tpu.memory_space<vmem>>) semaphore(%arg15 : memref<!tpu.dma_semaphore, #tpu.memory_space<semaphore_mem>>)
    %dma_start3A_733 = arith.constant 384 : i32
    %dma_start3A_734 = arith.constant 0 : i32
    %dma_start3A_735 = tpu.memref_slice %arg11[%dma_start3A_733, %dma_start3A_734] : memref<512x16xf32, #tpu.memory_space<vmem>> -> memref<128x16xf32, #tpu.memory_space<vmem>>
    %dma_start3A_736 = arith.constant 384 : i32
    %dma_start3A_737 = tpu.memref_slice %arg8[%dma_start3A_736] : memref<512xi32, #tpu.memory_space<vmem>> -> memref<128xi32, #tpu.memory_space<vmem>>
    %dma_start3A_738 = arith.constant 0 : i32
    %dma_start3A_739 = arith.constant 0 : i32
    %dma_start3A_740 = tpu.memref_slice %arg7[%dma_start3A_738, %dma_start3A_739] : memref<3744x16xf32, #tpu.memory_space<vmem_shared>> -> memref<3744x16xf32, #tpu.memory_space<vmem_shared>>
    tpu.enqueue_indirect_dma source(%dma_start3A_740 : memref<3744x16xf32, #tpu.memory_space<vmem_shared>>) target(%dma_start3A_735 : memref<128x16xf32, #tpu.memory_space<vmem>>) offsets(%dma_start3A_737 : memref<128xi32, #tpu.memory_space<vmem>>) semaphore(%arg15 : memref<!tpu.dma_semaphore, #tpu.memory_space<semaphore_mem>>)
    %dma_start3A_741 = arith.constant 384 : i32
    %dma_start3A_742 = arith.constant 0 : i32
    %dma_start3A_743 = tpu.memref_slice %arg12[%dma_start3A_741, %dma_start3A_742] : memref<512x16xf32, #tpu.memory_space<vmem>> -> memref<128x16xf32, #tpu.memory_space<vmem>>
    %dma_start3A_744 = arith.constant 384 : i32
    %dma_start3A_745 = tpu.memref_slice %arg9[%dma_start3A_744] : memref<512xi32, #tpu.memory_space<vmem>> -> memref<128xi32, #tpu.memory_space<vmem>>
    %dma_start3A_746 = arith.constant 0 : i32
    %dma_start3A_747 = arith.constant 0 : i32
    %dma_start3A_748 = tpu.memref_slice %arg7[%dma_start3A_746, %dma_start3A_747] : memref<3744x16xf32, #tpu.memory_space<vmem_shared>> -> memref<3744x16xf32, #tpu.memory_space<vmem_shared>>
    tpu.enqueue_indirect_dma source(%dma_start3A_748 : memref<3744x16xf32, #tpu.memory_space<vmem_shared>>) target(%dma_start3A_743 : memref<128x16xf32, #tpu.memory_space<vmem>>) offsets(%dma_start3A_745 : memref<128xi32, #tpu.memory_space<vmem>>) semaphore(%arg15 : memref<!tpu.dma_semaphore, #tpu.memory_space<semaphore_mem>>)
    %dma_start3A_749 = arith.constant 384 : i32
    %dma_start3A_750 = arith.constant 0 : i32
    %dma_start3A_751 = tpu.memref_slice %arg13[%dma_start3A_749, %dma_start3A_750] : memref<512x16xf32, #tpu.memory_space<vmem>> -> memref<128x16xf32, #tpu.memory_space<vmem>>
    %dma_start3A_752 = arith.constant 384 : i32
    %dma_start3A_753 = tpu.memref_slice %arg10[%dma_start3A_752] : memref<512xi32, #tpu.memory_space<vmem>> -> memref<128xi32, #tpu.memory_space<vmem>>
    %dma_start3A_754 = arith.constant 0 : i32
    %dma_start3A_755 = arith.constant 0 : i32
    %dma_start3A_756 = tpu.memref_slice %arg7[%dma_start3A_754, %dma_start3A_755] : memref<3744x16xf32, #tpu.memory_space<vmem_shared>> -> memref<3744x16xf32, #tpu.memory_space<vmem_shared>>
    tpu.enqueue_indirect_dma source(%dma_start3A_756 : memref<3744x16xf32, #tpu.memory_space<vmem_shared>>) target(%dma_start3A_751 : memref<128x16xf32, #tpu.memory_space<vmem>>) offsets(%dma_start3A_753 : memref<128xi32, #tpu.memory_space<vmem>>) semaphore(%arg15 : memref<!tpu.dma_semaphore, #tpu.memory_space<semaphore_mem>>)
    %add3A_757 = arith.constant 0 : i32
    %add3A_758 = arith.addi %mul3A_2, %add3A_757 : i32
    %dma_wait3A_759 = arith.constant 0 : i32
    %dma_wait3A_760 = arith.constant 0 : i32
    %dma_wait3A_761 = tpu.memref_slice %arg11[%dma_wait3A_759, %dma_wait3A_760] : memref<512x16xf32, #tpu.memory_space<vmem>> -> memref<128x16xf32, #tpu.memory_space<vmem>>
    %dma_wait3A_762 = arith.constant 0 : i32
    %dma_wait3A_763 = tpu.memref_slice %arg8[%dma_wait3A_762] : memref<512xi32, #tpu.memory_space<vmem>> -> memref<128xi32, #tpu.memory_space<vmem>>
    %dma_wait3A_764 = arith.constant 0 : i32
    %dma_wait3A_765 = arith.constant 0 : i32
    %dma_wait3A_766 = tpu.memref_slice %arg7[%dma_wait3A_764, %dma_wait3A_765] : memref<3744x16xf32, #tpu.memory_space<vmem_shared>> -> memref<3744x16xf32, #tpu.memory_space<vmem_shared>>
    tpu.wait_indirect_dma semaphore(%arg15 : memref<!tpu.dma_semaphore, #tpu.memory_space<semaphore_mem>>) src(%dma_wait3A_766 : memref<3744x16xf32, #tpu.memory_space<vmem_shared>>) dst(%dma_wait3A_761 : memref<128x16xf32, #tpu.memory_space<vmem>>)
    %dma_start3A_767 = arith.constant 0 : i32
    %dma_start3A_768 = arith.constant 0 : i32
    %dma_start3A_769 = tpu.memref_slice %arg11[%dma_start3A_767, %dma_start3A_768] : memref<512x16xf32, #tpu.memory_space<vmem>> -> memref<128x16xf32, #tpu.memory_space<vmem>>
    %dma_start3A_770 = arith.constant 0 : i32
    %dma_start3A_771 = tpu.memref_slice %arg6[%add3A_758, %dma_start3A_770] : memref<16384x128xf32, #tpu.memory_space<hbm>> -> memref<128x16xf32, #tpu.memory_space<hbm>>
    %dma_start3A_772 = arith.constant 0 : i32
    %dma_start3A_773 = tpu.memref_slice %arg6[%add3A_758, %dma_start3A_772] : memref<16384x128xf32, #tpu.memory_space<hbm>> -> memref<128x16xf32, #tpu.memory_space<hbm>>
    %dma_start3A_774 = arith.constant 0 : i32
    %dma_start3A_775 = arith.constant 0 : i32
    %dma_start3A_776 = tpu.memref_slice %arg11[%dma_start3A_774, %dma_start3A_775] : memref<512x16xf32, #tpu.memory_space<vmem>> -> memref<128x16xf32, #tpu.memory_space<vmem>>
    tpu.enqueue_dma source(%dma_start3A_776 : memref<128x16xf32, #tpu.memory_space<vmem>>) target(%dma_start3A_773 : memref<128x16xf32, #tpu.memory_space<hbm>>) target_semaphore(%arg16 : memref<!tpu.dma_semaphore, #tpu.memory_space<semaphore_mem>>)
    %dma_wait3A_777 = arith.constant 0 : i32
    %dma_wait3A_778 = arith.constant 0 : i32
    %dma_wait3A_779 = tpu.memref_slice %arg12[%dma_wait3A_777, %dma_wait3A_778] : memref<512x16xf32, #tpu.memory_space<vmem>> -> memref<128x16xf32, #tpu.memory_space<vmem>>
    %dma_wait3A_780 = arith.constant 0 : i32
    %dma_wait3A_781 = tpu.memref_slice %arg9[%dma_wait3A_780] : memref<512xi32, #tpu.memory_space<vmem>> -> memref<128xi32, #tpu.memory_space<vmem>>
    %dma_wait3A_782 = arith.constant 0 : i32
    %dma_wait3A_783 = arith.constant 0 : i32
    %dma_wait3A_784 = tpu.memref_slice %arg7[%dma_wait3A_782, %dma_wait3A_783] : memref<3744x16xf32, #tpu.memory_space<vmem_shared>> -> memref<3744x16xf32, #tpu.memory_space<vmem_shared>>
    tpu.wait_indirect_dma semaphore(%arg15 : memref<!tpu.dma_semaphore, #tpu.memory_space<semaphore_mem>>) src(%dma_wait3A_784 : memref<3744x16xf32, #tpu.memory_space<vmem_shared>>) dst(%dma_wait3A_779 : memref<128x16xf32, #tpu.memory_space<vmem>>)
    %dma_start3A_785 = arith.constant 0 : i32
    %dma_start3A_786 = arith.constant 0 : i32
    %dma_start3A_787 = tpu.memref_slice %arg12[%dma_start3A_785, %dma_start3A_786] : memref<512x16xf32, #tpu.memory_space<vmem>> -> memref<128x16xf32, #tpu.memory_space<vmem>>
    %dma_start3A_788 = arith.constant 16 : i32
    %dma_start3A_789 = tpu.memref_slice %arg6[%add3A_758, %dma_start3A_788] : memref<16384x128xf32, #tpu.memory_space<hbm>> -> memref<128x16xf32, #tpu.memory_space<hbm>>
    %dma_start3A_790 = arith.constant 16 : i32
    %dma_start3A_791 = tpu.memref_slice %arg6[%add3A_758, %dma_start3A_790] : memref<16384x128xf32, #tpu.memory_space<hbm>> -> memref<128x16xf32, #tpu.memory_space<hbm>>
    %dma_start3A_792 = arith.constant 0 : i32
    %dma_start3A_793 = arith.constant 0 : i32
    %dma_start3A_794 = tpu.memref_slice %arg12[%dma_start3A_792, %dma_start3A_793] : memref<512x16xf32, #tpu.memory_space<vmem>> -> memref<128x16xf32, #tpu.memory_space<vmem>>
    tpu.enqueue_dma source(%dma_start3A_794 : memref<128x16xf32, #tpu.memory_space<vmem>>) target(%dma_start3A_791 : memref<128x16xf32, #tpu.memory_space<hbm>>) target_semaphore(%arg16 : memref<!tpu.dma_semaphore, #tpu.memory_space<semaphore_mem>>)
    %dma_wait3A_795 = arith.constant 0 : i32
    %dma_wait3A_796 = arith.constant 0 : i32
    %dma_wait3A_797 = tpu.memref_slice %arg13[%dma_wait3A_795, %dma_wait3A_796] : memref<512x16xf32, #tpu.memory_space<vmem>> -> memref<128x16xf32, #tpu.memory_space<vmem>>
    %dma_wait3A_798 = arith.constant 0 : i32
    %dma_wait3A_799 = tpu.memref_slice %arg10[%dma_wait3A_798] : memref<512xi32, #tpu.memory_space<vmem>> -> memref<128xi32, #tpu.memory_space<vmem>>
    %dma_wait3A_800 = arith.constant 0 : i32
    %dma_wait3A_801 = arith.constant 0 : i32
    %dma_wait3A_802 = tpu.memref_slice %arg7[%dma_wait3A_800, %dma_wait3A_801] : memref<3744x16xf32, #tpu.memory_space<vmem_shared>> -> memref<3744x16xf32, #tpu.memory_space<vmem_shared>>
    tpu.wait_indirect_dma semaphore(%arg15 : memref<!tpu.dma_semaphore, #tpu.memory_space<semaphore_mem>>) src(%dma_wait3A_802 : memref<3744x16xf32, #tpu.memory_space<vmem_shared>>) dst(%dma_wait3A_797 : memref<128x16xf32, #tpu.memory_space<vmem>>)
    %dma_start3A_803 = arith.constant 0 : i32
    %dma_start3A_804 = arith.constant 0 : i32
    %dma_start3A_805 = tpu.memref_slice %arg13[%dma_start3A_803, %dma_start3A_804] : memref<512x16xf32, #tpu.memory_space<vmem>> -> memref<128x16xf32, #tpu.memory_space<vmem>>
    %dma_start3A_806 = arith.constant 32 : i32
    %dma_start3A_807 = tpu.memref_slice %arg6[%add3A_758, %dma_start3A_806] : memref<16384x128xf32, #tpu.memory_space<hbm>> -> memref<128x16xf32, #tpu.memory_space<hbm>>
    %dma_start3A_808 = arith.constant 32 : i32
    %dma_start3A_809 = tpu.memref_slice %arg6[%add3A_758, %dma_start3A_808] : memref<16384x128xf32, #tpu.memory_space<hbm>> -> memref<128x16xf32, #tpu.memory_space<hbm>>
    %dma_start3A_810 = arith.constant 0 : i32
    %dma_start3A_811 = arith.constant 0 : i32
    %dma_start3A_812 = tpu.memref_slice %arg13[%dma_start3A_810, %dma_start3A_811] : memref<512x16xf32, #tpu.memory_space<vmem>> -> memref<128x16xf32, #tpu.memory_space<vmem>>
    tpu.enqueue_dma source(%dma_start3A_812 : memref<128x16xf32, #tpu.memory_space<vmem>>) target(%dma_start3A_809 : memref<128x16xf32, #tpu.memory_space<hbm>>) target_semaphore(%arg16 : memref<!tpu.dma_semaphore, #tpu.memory_space<semaphore_mem>>)
    %add3A_813 = arith.constant 128 : i32
    %add3A_814 = arith.addi %mul3A_2, %add3A_813 : i32
    %dma_wait3A_815 = arith.constant 128 : i32
    %dma_wait3A_816 = arith.constant 0 : i32
    %dma_wait3A_817 = tpu.memref_slice %arg11[%dma_wait3A_815, %dma_wait3A_816] : memref<512x16xf32, #tpu.memory_space<vmem>> -> memref<128x16xf32, #tpu.memory_space<vmem>>
    %dma_wait3A_818 = arith.constant 128 : i32
    %dma_wait3A_819 = tpu.memref_slice %arg8[%dma_wait3A_818] : memref<512xi32, #tpu.memory_space<vmem>> -> memref<128xi32, #tpu.memory_space<vmem>>
    %dma_wait3A_820 = arith.constant 0 : i32
    %dma_wait3A_821 = arith.constant 0 : i32
    %dma_wait3A_822 = tpu.memref_slice %arg7[%dma_wait3A_820, %dma_wait3A_821] : memref<3744x16xf32, #tpu.memory_space<vmem_shared>> -> memref<3744x16xf32, #tpu.memory_space<vmem_shared>>
    tpu.wait_indirect_dma semaphore(%arg15 : memref<!tpu.dma_semaphore, #tpu.memory_space<semaphore_mem>>) src(%dma_wait3A_822 : memref<3744x16xf32, #tpu.memory_space<vmem_shared>>) dst(%dma_wait3A_817 : memref<128x16xf32, #tpu.memory_space<vmem>>)
    %dma_start3A_823 = arith.constant 128 : i32
    %dma_start3A_824 = arith.constant 0 : i32
    %dma_start3A_825 = tpu.memref_slice %arg11[%dma_start3A_823, %dma_start3A_824] : memref<512x16xf32, #tpu.memory_space<vmem>> -> memref<128x16xf32, #tpu.memory_space<vmem>>
    %dma_start3A_826 = arith.constant 0 : i32
    %dma_start3A_827 = tpu.memref_slice %arg6[%add3A_814, %dma_start3A_826] : memref<16384x128xf32, #tpu.memory_space<hbm>> -> memref<128x16xf32, #tpu.memory_space<hbm>>
    %dma_start3A_828 = arith.constant 0 : i32
    %dma_start3A_829 = tpu.memref_slice %arg6[%add3A_814, %dma_start3A_828] : memref<16384x128xf32, #tpu.memory_space<hbm>> -> memref<128x16xf32, #tpu.memory_space<hbm>>
    %dma_start3A_830 = arith.constant 128 : i32
    %dma_start3A_831 = arith.constant 0 : i32
    %dma_start3A_832 = tpu.memref_slice %arg11[%dma_start3A_830, %dma_start3A_831] : memref<512x16xf32, #tpu.memory_space<vmem>> -> memref<128x16xf32, #tpu.memory_space<vmem>>
    tpu.enqueue_dma source(%dma_start3A_832 : memref<128x16xf32, #tpu.memory_space<vmem>>) target(%dma_start3A_829 : memref<128x16xf32, #tpu.memory_space<hbm>>) target_semaphore(%arg16 : memref<!tpu.dma_semaphore, #tpu.memory_space<semaphore_mem>>)
    %dma_wait3A_833 = arith.constant 128 : i32
    %dma_wait3A_834 = arith.constant 0 : i32
    %dma_wait3A_835 = tpu.memref_slice %arg12[%dma_wait3A_833, %dma_wait3A_834] : memref<512x16xf32, #tpu.memory_space<vmem>> -> memref<128x16xf32, #tpu.memory_space<vmem>>
    %dma_wait3A_836 = arith.constant 128 : i32
    %dma_wait3A_837 = tpu.memref_slice %arg9[%dma_wait3A_836] : memref<512xi32, #tpu.memory_space<vmem>> -> memref<128xi32, #tpu.memory_space<vmem>>
    %dma_wait3A_838 = arith.constant 0 : i32
    %dma_wait3A_839 = arith.constant 0 : i32
    %dma_wait3A_840 = tpu.memref_slice %arg7[%dma_wait3A_838, %dma_wait3A_839] : memref<3744x16xf32, #tpu.memory_space<vmem_shared>> -> memref<3744x16xf32, #tpu.memory_space<vmem_shared>>
    tpu.wait_indirect_dma semaphore(%arg15 : memref<!tpu.dma_semaphore, #tpu.memory_space<semaphore_mem>>) src(%dma_wait3A_840 : memref<3744x16xf32, #tpu.memory_space<vmem_shared>>) dst(%dma_wait3A_835 : memref<128x16xf32, #tpu.memory_space<vmem>>)
    %dma_start3A_841 = arith.constant 128 : i32
    %dma_start3A_842 = arith.constant 0 : i32
    %dma_start3A_843 = tpu.memref_slice %arg12[%dma_start3A_841, %dma_start3A_842] : memref<512x16xf32, #tpu.memory_space<vmem>> -> memref<128x16xf32, #tpu.memory_space<vmem>>
    %dma_start3A_844 = arith.constant 16 : i32
    %dma_start3A_845 = tpu.memref_slice %arg6[%add3A_814, %dma_start3A_844] : memref<16384x128xf32, #tpu.memory_space<hbm>> -> memref<128x16xf32, #tpu.memory_space<hbm>>
    %dma_start3A_846 = arith.constant 16 : i32
    %dma_start3A_847 = tpu.memref_slice %arg6[%add3A_814, %dma_start3A_846] : memref<16384x128xf32, #tpu.memory_space<hbm>> -> memref<128x16xf32, #tpu.memory_space<hbm>>
    %dma_start3A_848 = arith.constant 128 : i32
    %dma_start3A_849 = arith.constant 0 : i32
    %dma_start3A_850 = tpu.memref_slice %arg12[%dma_start3A_848, %dma_start3A_849] : memref<512x16xf32, #tpu.memory_space<vmem>> -> memref<128x16xf32, #tpu.memory_space<vmem>>
    tpu.enqueue_dma source(%dma_start3A_850 : memref<128x16xf32, #tpu.memory_space<vmem>>) target(%dma_start3A_847 : memref<128x16xf32, #tpu.memory_space<hbm>>) target_semaphore(%arg16 : memref<!tpu.dma_semaphore, #tpu.memory_space<semaphore_mem>>)
    %dma_wait3A_851 = arith.constant 128 : i32
    %dma_wait3A_852 = arith.constant 0 : i32
    %dma_wait3A_853 = tpu.memref_slice %arg13[%dma_wait3A_851, %dma_wait3A_852] : memref<512x16xf32, #tpu.memory_space<vmem>> -> memref<128x16xf32, #tpu.memory_space<vmem>>
    %dma_wait3A_854 = arith.constant 128 : i32
    %dma_wait3A_855 = tpu.memref_slice %arg10[%dma_wait3A_854] : memref<512xi32, #tpu.memory_space<vmem>> -> memref<128xi32, #tpu.memory_space<vmem>>
    %dma_wait3A_856 = arith.constant 0 : i32
    %dma_wait3A_857 = arith.constant 0 : i32
    %dma_wait3A_858 = tpu.memref_slice %arg7[%dma_wait3A_856, %dma_wait3A_857] : memref<3744x16xf32, #tpu.memory_space<vmem_shared>> -> memref<3744x16xf32, #tpu.memory_space<vmem_shared>>
    tpu.wait_indirect_dma semaphore(%arg15 : memref<!tpu.dma_semaphore, #tpu.memory_space<semaphore_mem>>) src(%dma_wait3A_858 : memref<3744x16xf32, #tpu.memory_space<vmem_shared>>) dst(%dma_wait3A_853 : memref<128x16xf32, #tpu.memory_space<vmem>>)
    %dma_start3A_859 = arith.constant 128 : i32
    %dma_start3A_860 = arith.constant 0 : i32
    %dma_start3A_861 = tpu.memref_slice %arg13[%dma_start3A_859, %dma_start3A_860] : memref<512x16xf32, #tpu.memory_space<vmem>> -> memref<128x16xf32, #tpu.memory_space<vmem>>
    %dma_start3A_862 = arith.constant 32 : i32
    %dma_start3A_863 = tpu.memref_slice %arg6[%add3A_814, %dma_start3A_862] : memref<16384x128xf32, #tpu.memory_space<hbm>> -> memref<128x16xf32, #tpu.memory_space<hbm>>
    %dma_start3A_864 = arith.constant 32 : i32
    %dma_start3A_865 = tpu.memref_slice %arg6[%add3A_814, %dma_start3A_864] : memref<16384x128xf32, #tpu.memory_space<hbm>> -> memref<128x16xf32, #tpu.memory_space<hbm>>
    %dma_start3A_866 = arith.constant 128 : i32
    %dma_start3A_867 = arith.constant 0 : i32
    %dma_start3A_868 = tpu.memref_slice %arg13[%dma_start3A_866, %dma_start3A_867] : memref<512x16xf32, #tpu.memory_space<vmem>> -> memref<128x16xf32, #tpu.memory_space<vmem>>
    tpu.enqueue_dma source(%dma_start3A_868 : memref<128x16xf32, #tpu.memory_space<vmem>>) target(%dma_start3A_865 : memref<128x16xf32, #tpu.memory_space<hbm>>) target_semaphore(%arg16 : memref<!tpu.dma_semaphore, #tpu.memory_space<semaphore_mem>>)
    %add3A_869 = arith.constant 256 : i32
    %add3A_870 = arith.addi %mul3A_2, %add3A_869 : i32
    %dma_wait3A_871 = arith.constant 256 : i32
    %dma_wait3A_872 = arith.constant 0 : i32
    %dma_wait3A_873 = tpu.memref_slice %arg11[%dma_wait3A_871, %dma_wait3A_872] : memref<512x16xf32, #tpu.memory_space<vmem>> -> memref<128x16xf32, #tpu.memory_space<vmem>>
    %dma_wait3A_874 = arith.constant 256 : i32
    %dma_wait3A_875 = tpu.memref_slice %arg8[%dma_wait3A_874] : memref<512xi32, #tpu.memory_space<vmem>> -> memref<128xi32, #tpu.memory_space<vmem>>
    %dma_wait3A_876 = arith.constant 0 : i32
    %dma_wait3A_877 = arith.constant 0 : i32
    %dma_wait3A_878 = tpu.memref_slice %arg7[%dma_wait3A_876, %dma_wait3A_877] : memref<3744x16xf32, #tpu.memory_space<vmem_shared>> -> memref<3744x16xf32, #tpu.memory_space<vmem_shared>>
    tpu.wait_indirect_dma semaphore(%arg15 : memref<!tpu.dma_semaphore, #tpu.memory_space<semaphore_mem>>) src(%dma_wait3A_878 : memref<3744x16xf32, #tpu.memory_space<vmem_shared>>) dst(%dma_wait3A_873 : memref<128x16xf32, #tpu.memory_space<vmem>>)
    %dma_start3A_879 = arith.constant 256 : i32
    %dma_start3A_880 = arith.constant 0 : i32
    %dma_start3A_881 = tpu.memref_slice %arg11[%dma_start3A_879, %dma_start3A_880] : memref<512x16xf32, #tpu.memory_space<vmem>> -> memref<128x16xf32, #tpu.memory_space<vmem>>
    %dma_start3A_882 = arith.constant 0 : i32
    %dma_start3A_883 = tpu.memref_slice %arg6[%add3A_870, %dma_start3A_882] : memref<16384x128xf32, #tpu.memory_space<hbm>> -> memref<128x16xf32, #tpu.memory_space<hbm>>
    %dma_start3A_884 = arith.constant 0 : i32
    %dma_start3A_885 = tpu.memref_slice %arg6[%add3A_870, %dma_start3A_884] : memref<16384x128xf32, #tpu.memory_space<hbm>> -> memref<128x16xf32, #tpu.memory_space<hbm>>
    %dma_start3A_886 = arith.constant 256 : i32
    %dma_start3A_887 = arith.constant 0 : i32
    %dma_start3A_888 = tpu.memref_slice %arg11[%dma_start3A_886, %dma_start3A_887] : memref<512x16xf32, #tpu.memory_space<vmem>> -> memref<128x16xf32, #tpu.memory_space<vmem>>
    tpu.enqueue_dma source(%dma_start3A_888 : memref<128x16xf32, #tpu.memory_space<vmem>>) target(%dma_start3A_885 : memref<128x16xf32, #tpu.memory_space<hbm>>) target_semaphore(%arg16 : memref<!tpu.dma_semaphore, #tpu.memory_space<semaphore_mem>>)
    %dma_wait3A_889 = arith.constant 256 : i32
    %dma_wait3A_890 = arith.constant 0 : i32
    %dma_wait3A_891 = tpu.memref_slice %arg12[%dma_wait3A_889, %dma_wait3A_890] : memref<512x16xf32, #tpu.memory_space<vmem>> -> memref<128x16xf32, #tpu.memory_space<vmem>>
    %dma_wait3A_892 = arith.constant 256 : i32
    %dma_wait3A_893 = tpu.memref_slice %arg9[%dma_wait3A_892] : memref<512xi32, #tpu.memory_space<vmem>> -> memref<128xi32, #tpu.memory_space<vmem>>
    %dma_wait3A_894 = arith.constant 0 : i32
    %dma_wait3A_895 = arith.constant 0 : i32
    %dma_wait3A_896 = tpu.memref_slice %arg7[%dma_wait3A_894, %dma_wait3A_895] : memref<3744x16xf32, #tpu.memory_space<vmem_shared>> -> memref<3744x16xf32, #tpu.memory_space<vmem_shared>>
    tpu.wait_indirect_dma semaphore(%arg15 : memref<!tpu.dma_semaphore, #tpu.memory_space<semaphore_mem>>) src(%dma_wait3A_896 : memref<3744x16xf32, #tpu.memory_space<vmem_shared>>) dst(%dma_wait3A_891 : memref<128x16xf32, #tpu.memory_space<vmem>>)
    %dma_start3A_897 = arith.constant 256 : i32
    %dma_start3A_898 = arith.constant 0 : i32
    %dma_start3A_899 = tpu.memref_slice %arg12[%dma_start3A_897, %dma_start3A_898] : memref<512x16xf32, #tpu.memory_space<vmem>> -> memref<128x16xf32, #tpu.memory_space<vmem>>
    %dma_start3A_900 = arith.constant 16 : i32
    %dma_start3A_901 = tpu.memref_slice %arg6[%add3A_870, %dma_start3A_900] : memref<16384x128xf32, #tpu.memory_space<hbm>> -> memref<128x16xf32, #tpu.memory_space<hbm>>
    %dma_start3A_902 = arith.constant 16 : i32
    %dma_start3A_903 = tpu.memref_slice %arg6[%add3A_870, %dma_start3A_902] : memref<16384x128xf32, #tpu.memory_space<hbm>> -> memref<128x16xf32, #tpu.memory_space<hbm>>
    %dma_start3A_904 = arith.constant 256 : i32
    %dma_start3A_905 = arith.constant 0 : i32
    %dma_start3A_906 = tpu.memref_slice %arg12[%dma_start3A_904, %dma_start3A_905] : memref<512x16xf32, #tpu.memory_space<vmem>> -> memref<128x16xf32, #tpu.memory_space<vmem>>
    tpu.enqueue_dma source(%dma_start3A_906 : memref<128x16xf32, #tpu.memory_space<vmem>>) target(%dma_start3A_903 : memref<128x16xf32, #tpu.memory_space<hbm>>) target_semaphore(%arg16 : memref<!tpu.dma_semaphore, #tpu.memory_space<semaphore_mem>>)
    %dma_wait3A_907 = arith.constant 256 : i32
    %dma_wait3A_908 = arith.constant 0 : i32
    %dma_wait3A_909 = tpu.memref_slice %arg13[%dma_wait3A_907, %dma_wait3A_908] : memref<512x16xf32, #tpu.memory_space<vmem>> -> memref<128x16xf32, #tpu.memory_space<vmem>>
    %dma_wait3A_910 = arith.constant 256 : i32
    %dma_wait3A_911 = tpu.memref_slice %arg10[%dma_wait3A_910] : memref<512xi32, #tpu.memory_space<vmem>> -> memref<128xi32, #tpu.memory_space<vmem>>
    %dma_wait3A_912 = arith.constant 0 : i32
    %dma_wait3A_913 = arith.constant 0 : i32
    %dma_wait3A_914 = tpu.memref_slice %arg7[%dma_wait3A_912, %dma_wait3A_913] : memref<3744x16xf32, #tpu.memory_space<vmem_shared>> -> memref<3744x16xf32, #tpu.memory_space<vmem_shared>>
    tpu.wait_indirect_dma semaphore(%arg15 : memref<!tpu.dma_semaphore, #tpu.memory_space<semaphore_mem>>) src(%dma_wait3A_914 : memref<3744x16xf32, #tpu.memory_space<vmem_shared>>) dst(%dma_wait3A_909 : memref<128x16xf32, #tpu.memory_space<vmem>>)
    %dma_start3A_915 = arith.constant 256 : i32
    %dma_start3A_916 = arith.constant 0 : i32
    %dma_start3A_917 = tpu.memref_slice %arg13[%dma_start3A_915, %dma_start3A_916] : memref<512x16xf32, #tpu.memory_space<vmem>> -> memref<128x16xf32, #tpu.memory_space<vmem>>
    %dma_start3A_918 = arith.constant 32 : i32
    %dma_start3A_919 = tpu.memref_slice %arg6[%add3A_870, %dma_start3A_918] : memref<16384x128xf32, #tpu.memory_space<hbm>> -> memref<128x16xf32, #tpu.memory_space<hbm>>
    %dma_start3A_920 = arith.constant 32 : i32
    %dma_start3A_921 = tpu.memref_slice %arg6[%add3A_870, %dma_start3A_920] : memref<16384x128xf32, #tpu.memory_space<hbm>> -> memref<128x16xf32, #tpu.memory_space<hbm>>
    %dma_start3A_922 = arith.constant 256 : i32
    %dma_start3A_923 = arith.constant 0 : i32
    %dma_start3A_924 = tpu.memref_slice %arg13[%dma_start3A_922, %dma_start3A_923] : memref<512x16xf32, #tpu.memory_space<vmem>> -> memref<128x16xf32, #tpu.memory_space<vmem>>
    tpu.enqueue_dma source(%dma_start3A_924 : memref<128x16xf32, #tpu.memory_space<vmem>>) target(%dma_start3A_921 : memref<128x16xf32, #tpu.memory_space<hbm>>) target_semaphore(%arg16 : memref<!tpu.dma_semaphore, #tpu.memory_space<semaphore_mem>>)
    %add3A_925 = arith.constant 384 : i32
    %add3A_926 = arith.addi %mul3A_2, %add3A_925 : i32
    %dma_wait3A_927 = arith.constant 384 : i32
    %dma_wait3A_928 = arith.constant 0 : i32
    %dma_wait3A_929 = tpu.memref_slice %arg11[%dma_wait3A_927, %dma_wait3A_928] : memref<512x16xf32, #tpu.memory_space<vmem>> -> memref<128x16xf32, #tpu.memory_space<vmem>>
    %dma_wait3A_930 = arith.constant 384 : i32
    %dma_wait3A_931 = tpu.memref_slice %arg8[%dma_wait3A_930] : memref<512xi32, #tpu.memory_space<vmem>> -> memref<128xi32, #tpu.memory_space<vmem>>
    %dma_wait3A_932 = arith.constant 0 : i32
    %dma_wait3A_933 = arith.constant 0 : i32
    %dma_wait3A_934 = tpu.memref_slice %arg7[%dma_wait3A_932, %dma_wait3A_933] : memref<3744x16xf32, #tpu.memory_space<vmem_shared>> -> memref<3744x16xf32, #tpu.memory_space<vmem_shared>>
    tpu.wait_indirect_dma semaphore(%arg15 : memref<!tpu.dma_semaphore, #tpu.memory_space<semaphore_mem>>) src(%dma_wait3A_934 : memref<3744x16xf32, #tpu.memory_space<vmem_shared>>) dst(%dma_wait3A_929 : memref<128x16xf32, #tpu.memory_space<vmem>>)
    %dma_start3A_935 = arith.constant 384 : i32
    %dma_start3A_936 = arith.constant 0 : i32
    %dma_start3A_937 = tpu.memref_slice %arg11[%dma_start3A_935, %dma_start3A_936] : memref<512x16xf32, #tpu.memory_space<vmem>> -> memref<128x16xf32, #tpu.memory_space<vmem>>
    %dma_start3A_938 = arith.constant 0 : i32
    %dma_start3A_939 = tpu.memref_slice %arg6[%add3A_926, %dma_start3A_938] : memref<16384x128xf32, #tpu.memory_space<hbm>> -> memref<128x16xf32, #tpu.memory_space<hbm>>
    %dma_start3A_940 = arith.constant 0 : i32
    %dma_start3A_941 = tpu.memref_slice %arg6[%add3A_926, %dma_start3A_940] : memref<16384x128xf32, #tpu.memory_space<hbm>> -> memref<128x16xf32, #tpu.memory_space<hbm>>
    %dma_start3A_942 = arith.constant 384 : i32
    %dma_start3A_943 = arith.constant 0 : i32
    %dma_start3A_944 = tpu.memref_slice %arg11[%dma_start3A_942, %dma_start3A_943] : memref<512x16xf32, #tpu.memory_space<vmem>> -> memref<128x16xf32, #tpu.memory_space<vmem>>
    tpu.enqueue_dma source(%dma_start3A_944 : memref<128x16xf32, #tpu.memory_space<vmem>>) target(%dma_start3A_941 : memref<128x16xf32, #tpu.memory_space<hbm>>) target_semaphore(%arg16 : memref<!tpu.dma_semaphore, #tpu.memory_space<semaphore_mem>>)
    %dma_wait3A_945 = arith.constant 384 : i32
    %dma_wait3A_946 = arith.constant 0 : i32
    %dma_wait3A_947 = tpu.memref_slice %arg12[%dma_wait3A_945, %dma_wait3A_946] : memref<512x16xf32, #tpu.memory_space<vmem>> -> memref<128x16xf32, #tpu.memory_space<vmem>>
    %dma_wait3A_948 = arith.constant 384 : i32
    %dma_wait3A_949 = tpu.memref_slice %arg9[%dma_wait3A_948] : memref<512xi32, #tpu.memory_space<vmem>> -> memref<128xi32, #tpu.memory_space<vmem>>
    %dma_wait3A_950 = arith.constant 0 : i32
    %dma_wait3A_951 = arith.constant 0 : i32
    %dma_wait3A_952 = tpu.memref_slice %arg7[%dma_wait3A_950, %dma_wait3A_951] : memref<3744x16xf32, #tpu.memory_space<vmem_shared>> -> memref<3744x16xf32, #tpu.memory_space<vmem_shared>>
    tpu.wait_indirect_dma semaphore(%arg15 : memref<!tpu.dma_semaphore, #tpu.memory_space<semaphore_mem>>) src(%dma_wait3A_952 : memref<3744x16xf32, #tpu.memory_space<vmem_shared>>) dst(%dma_wait3A_947 : memref<128x16xf32, #tpu.memory_space<vmem>>)
    %dma_start3A_953 = arith.constant 384 : i32
    %dma_start3A_954 = arith.constant 0 : i32
    %dma_start3A_955 = tpu.memref_slice %arg12[%dma_start3A_953, %dma_start3A_954] : memref<512x16xf32, #tpu.memory_space<vmem>> -> memref<128x16xf32, #tpu.memory_space<vmem>>
    %dma_start3A_956 = arith.constant 16 : i32
    %dma_start3A_957 = tpu.memref_slice %arg6[%add3A_926, %dma_start3A_956] : memref<16384x128xf32, #tpu.memory_space<hbm>> -> memref<128x16xf32, #tpu.memory_space<hbm>>
    %dma_start3A_958 = arith.constant 16 : i32
    %dma_start3A_959 = tpu.memref_slice %arg6[%add3A_926, %dma_start3A_958] : memref<16384x128xf32, #tpu.memory_space<hbm>> -> memref<128x16xf32, #tpu.memory_space<hbm>>
    %dma_start3A_960 = arith.constant 384 : i32
    %dma_start3A_961 = arith.constant 0 : i32
    %dma_start3A_962 = tpu.memref_slice %arg12[%dma_start3A_960, %dma_start3A_961] : memref<512x16xf32, #tpu.memory_space<vmem>> -> memref<128x16xf32, #tpu.memory_space<vmem>>
    tpu.enqueue_dma source(%dma_start3A_962 : memref<128x16xf32, #tpu.memory_space<vmem>>) target(%dma_start3A_959 : memref<128x16xf32, #tpu.memory_space<hbm>>) target_semaphore(%arg16 : memref<!tpu.dma_semaphore, #tpu.memory_space<semaphore_mem>>)
    %dma_wait3A_963 = arith.constant 384 : i32
    %dma_wait3A_964 = arith.constant 0 : i32
    %dma_wait3A_965 = tpu.memref_slice %arg13[%dma_wait3A_963, %dma_wait3A_964] : memref<512x16xf32, #tpu.memory_space<vmem>> -> memref<128x16xf32, #tpu.memory_space<vmem>>
    %dma_wait3A_966 = arith.constant 384 : i32
    %dma_wait3A_967 = tpu.memref_slice %arg10[%dma_wait3A_966] : memref<512xi32, #tpu.memory_space<vmem>> -> memref<128xi32, #tpu.memory_space<vmem>>
    %dma_wait3A_968 = arith.constant 0 : i32
    %dma_wait3A_969 = arith.constant 0 : i32
    %dma_wait3A_970 = tpu.memref_slice %arg7[%dma_wait3A_968, %dma_wait3A_969] : memref<3744x16xf32, #tpu.memory_space<vmem_shared>> -> memref<3744x16xf32, #tpu.memory_space<vmem_shared>>
    tpu.wait_indirect_dma semaphore(%arg15 : memref<!tpu.dma_semaphore, #tpu.memory_space<semaphore_mem>>) src(%dma_wait3A_970 : memref<3744x16xf32, #tpu.memory_space<vmem_shared>>) dst(%dma_wait3A_965 : memref<128x16xf32, #tpu.memory_space<vmem>>)
    %dma_start3A_971 = arith.constant 384 : i32
    %dma_start3A_972 = arith.constant 0 : i32
    %dma_start3A_973 = tpu.memref_slice %arg13[%dma_start3A_971, %dma_start3A_972] : memref<512x16xf32, #tpu.memory_space<vmem>> -> memref<128x16xf32, #tpu.memory_space<vmem>>
    %dma_start3A_974 = arith.constant 32 : i32
    %dma_start3A_975 = tpu.memref_slice %arg6[%add3A_926, %dma_start3A_974] : memref<16384x128xf32, #tpu.memory_space<hbm>> -> memref<128x16xf32, #tpu.memory_space<hbm>>
    %dma_start3A_976 = arith.constant 32 : i32
    %dma_start3A_977 = tpu.memref_slice %arg6[%add3A_926, %dma_start3A_976] : memref<16384x128xf32, #tpu.memory_space<hbm>> -> memref<128x16xf32, #tpu.memory_space<hbm>>
    %dma_start3A_978 = arith.constant 384 : i32
    %dma_start3A_979 = arith.constant 0 : i32
    %dma_start3A_980 = tpu.memref_slice %arg13[%dma_start3A_978, %dma_start3A_979] : memref<512x16xf32, #tpu.memory_space<vmem>> -> memref<128x16xf32, #tpu.memory_space<vmem>>
    tpu.enqueue_dma source(%dma_start3A_980 : memref<128x16xf32, #tpu.memory_space<vmem>>) target(%dma_start3A_977 : memref<128x16xf32, #tpu.memory_space<hbm>>) target_semaphore(%arg16 : memref<!tpu.dma_semaphore, #tpu.memory_space<semaphore_mem>>)
    %dma_wait3A_981 = arith.constant 0 : i32
    %dma_wait3A_982 = arith.constant 0 : i32
    %dma_wait3A_983 = tpu.memref_slice %arg11[%dma_wait3A_981, %dma_wait3A_982] : memref<512x16xf32, #tpu.memory_space<vmem>> -> memref<128x16xf32, #tpu.memory_space<vmem>>
    %dma_wait3A_984 = arith.constant 0 : i32
    %dma_wait3A_985 = tpu.memref_slice %arg6[%add3A_758, %dma_wait3A_984] : memref<16384x128xf32, #tpu.memory_space<hbm>> -> memref<128x16xf32, #tpu.memory_space<hbm>>
    %dma_wait3A_986 = arith.constant 0 : i32
    %dma_wait3A_987 = tpu.memref_slice %arg6[%add3A_758, %dma_wait3A_986] : memref<16384x128xf32, #tpu.memory_space<hbm>> -> memref<128x16xf32, #tpu.memory_space<hbm>>
    %dma_wait3A_988 = arith.constant 0 : i32
    %dma_wait3A_989 = arith.constant 0 : i32
    %dma_wait3A_990 = tpu.memref_slice %arg11[%dma_wait3A_988, %dma_wait3A_989] : memref<512x16xf32, #tpu.memory_space<vmem>> -> memref<128x16xf32, #tpu.memory_space<vmem>>
    tpu.wait_dma2 semaphore(%arg16 : memref<!tpu.dma_semaphore, #tpu.memory_space<semaphore_mem>>) src(%dma_wait3A_990 : memref<128x16xf32, #tpu.memory_space<vmem>>) dst(%dma_wait3A_987 : memref<128x16xf32, #tpu.memory_space<hbm>>)
    %dma_wait3A_991 = arith.constant 0 : i32
    %dma_wait3A_992 = arith.constant 0 : i32
    %dma_wait3A_993 = tpu.memref_slice %arg12[%dma_wait3A_991, %dma_wait3A_992] : memref<512x16xf32, #tpu.memory_space<vmem>> -> memref<128x16xf32, #tpu.memory_space<vmem>>
    %dma_wait3A_994 = arith.constant 16 : i32
    %dma_wait3A_995 = tpu.memref_slice %arg6[%add3A_758, %dma_wait3A_994] : memref<16384x128xf32, #tpu.memory_space<hbm>> -> memref<128x16xf32, #tpu.memory_space<hbm>>
    %dma_wait3A_996 = arith.constant 16 : i32
    %dma_wait3A_997 = tpu.memref_slice %arg6[%add3A_758, %dma_wait3A_996] : memref<16384x128xf32, #tpu.memory_space<hbm>> -> memref<128x16xf32, #tpu.memory_space<hbm>>
    %dma_wait3A_998 = arith.constant 0 : i32
    %dma_wait3A_999 = arith.constant 0 : i32
    %dma_wait3A_1000 = tpu.memref_slice %arg12[%dma_wait3A_998, %dma_wait3A_999] : memref<512x16xf32, #tpu.memory_space<vmem>> -> memref<128x16xf32, #tpu.memory_space<vmem>>
    tpu.wait_dma2 semaphore(%arg16 : memref<!tpu.dma_semaphore, #tpu.memory_space<semaphore_mem>>) src(%dma_wait3A_1000 : memref<128x16xf32, #tpu.memory_space<vmem>>) dst(%dma_wait3A_997 : memref<128x16xf32, #tpu.memory_space<hbm>>)
    %dma_wait3A_1001 = arith.constant 0 : i32
    %dma_wait3A_1002 = arith.constant 0 : i32
    %dma_wait3A_1003 = tpu.memref_slice %arg13[%dma_wait3A_1001, %dma_wait3A_1002] : memref<512x16xf32, #tpu.memory_space<vmem>> -> memref<128x16xf32, #tpu.memory_space<vmem>>
    %dma_wait3A_1004 = arith.constant 32 : i32
    %dma_wait3A_1005 = tpu.memref_slice %arg6[%add3A_758, %dma_wait3A_1004] : memref<16384x128xf32, #tpu.memory_space<hbm>> -> memref<128x16xf32, #tpu.memory_space<hbm>>
    %dma_wait3A_1006 = arith.constant 32 : i32
    %dma_wait3A_1007 = tpu.memref_slice %arg6[%add3A_758, %dma_wait3A_1006] : memref<16384x128xf32, #tpu.memory_space<hbm>> -> memref<128x16xf32, #tpu.memory_space<hbm>>
    %dma_wait3A_1008 = arith.constant 0 : i32
    %dma_wait3A_1009 = arith.constant 0 : i32
    %dma_wait3A_1010 = tpu.memref_slice %arg13[%dma_wait3A_1008, %dma_wait3A_1009] : memref<512x16xf32, #tpu.memory_space<vmem>> -> memref<128x16xf32, #tpu.memory_space<vmem>>
    tpu.wait_dma2 semaphore(%arg16 : memref<!tpu.dma_semaphore, #tpu.memory_space<semaphore_mem>>) src(%dma_wait3A_1010 : memref<128x16xf32, #tpu.memory_space<vmem>>) dst(%dma_wait3A_1007 : memref<128x16xf32, #tpu.memory_space<hbm>>)
    %dma_wait3A_1011 = arith.constant 128 : i32
    %dma_wait3A_1012 = arith.constant 0 : i32
    %dma_wait3A_1013 = tpu.memref_slice %arg11[%dma_wait3A_1011, %dma_wait3A_1012] : memref<512x16xf32, #tpu.memory_space<vmem>> -> memref<128x16xf32, #tpu.memory_space<vmem>>
    %dma_wait3A_1014 = arith.constant 0 : i32
    %dma_wait3A_1015 = tpu.memref_slice %arg6[%add3A_814, %dma_wait3A_1014] : memref<16384x128xf32, #tpu.memory_space<hbm>> -> memref<128x16xf32, #tpu.memory_space<hbm>>
    %dma_wait3A_1016 = arith.constant 0 : i32
    %dma_wait3A_1017 = tpu.memref_slice %arg6[%add3A_814, %dma_wait3A_1016] : memref<16384x128xf32, #tpu.memory_space<hbm>> -> memref<128x16xf32, #tpu.memory_space<hbm>>
    %dma_wait3A_1018 = arith.constant 128 : i32
    %dma_wait3A_1019 = arith.constant 0 : i32
    %dma_wait3A_1020 = tpu.memref_slice %arg11[%dma_wait3A_1018, %dma_wait3A_1019] : memref<512x16xf32, #tpu.memory_space<vmem>> -> memref<128x16xf32, #tpu.memory_space<vmem>>
    tpu.wait_dma2 semaphore(%arg16 : memref<!tpu.dma_semaphore, #tpu.memory_space<semaphore_mem>>) src(%dma_wait3A_1020 : memref<128x16xf32, #tpu.memory_space<vmem>>) dst(%dma_wait3A_1017 : memref<128x16xf32, #tpu.memory_space<hbm>>)
    %dma_wait3A_1021 = arith.constant 128 : i32
    %dma_wait3A_1022 = arith.constant 0 : i32
    %dma_wait3A_1023 = tpu.memref_slice %arg12[%dma_wait3A_1021, %dma_wait3A_1022] : memref<512x16xf32, #tpu.memory_space<vmem>> -> memref<128x16xf32, #tpu.memory_space<vmem>>
    %dma_wait3A_1024 = arith.constant 16 : i32
    %dma_wait3A_1025 = tpu.memref_slice %arg6[%add3A_814, %dma_wait3A_1024] : memref<16384x128xf32, #tpu.memory_space<hbm>> -> memref<128x16xf32, #tpu.memory_space<hbm>>
    %dma_wait3A_1026 = arith.constant 16 : i32
    %dma_wait3A_1027 = tpu.memref_slice %arg6[%add3A_814, %dma_wait3A_1026] : memref<16384x128xf32, #tpu.memory_space<hbm>> -> memref<128x16xf32, #tpu.memory_space<hbm>>
    %dma_wait3A_1028 = arith.constant 128 : i32
    %dma_wait3A_1029 = arith.constant 0 : i32
    %dma_wait3A_1030 = tpu.memref_slice %arg12[%dma_wait3A_1028, %dma_wait3A_1029] : memref<512x16xf32, #tpu.memory_space<vmem>> -> memref<128x16xf32, #tpu.memory_space<vmem>>
    tpu.wait_dma2 semaphore(%arg16 : memref<!tpu.dma_semaphore, #tpu.memory_space<semaphore_mem>>) src(%dma_wait3A_1030 : memref<128x16xf32, #tpu.memory_space<vmem>>) dst(%dma_wait3A_1027 : memref<128x16xf32, #tpu.memory_space<hbm>>)
    %dma_wait3A_1031 = arith.constant 128 : i32
    %dma_wait3A_1032 = arith.constant 0 : i32
    %dma_wait3A_1033 = tpu.memref_slice %arg13[%dma_wait3A_1031, %dma_wait3A_1032] : memref<512x16xf32, #tpu.memory_space<vmem>> -> memref<128x16xf32, #tpu.memory_space<vmem>>
    %dma_wait3A_1034 = arith.constant 32 : i32
    %dma_wait3A_1035 = tpu.memref_slice %arg6[%add3A_814, %dma_wait3A_1034] : memref<16384x128xf32, #tpu.memory_space<hbm>> -> memref<128x16xf32, #tpu.memory_space<hbm>>
    %dma_wait3A_1036 = arith.constant 32 : i32
    %dma_wait3A_1037 = tpu.memref_slice %arg6[%add3A_814, %dma_wait3A_1036] : memref<16384x128xf32, #tpu.memory_space<hbm>> -> memref<128x16xf32, #tpu.memory_space<hbm>>
    %dma_wait3A_1038 = arith.constant 128 : i32
    %dma_wait3A_1039 = arith.constant 0 : i32
    %dma_wait3A_1040 = tpu.memref_slice %arg13[%dma_wait3A_1038, %dma_wait3A_1039] : memref<512x16xf32, #tpu.memory_space<vmem>> -> memref<128x16xf32, #tpu.memory_space<vmem>>
    tpu.wait_dma2 semaphore(%arg16 : memref<!tpu.dma_semaphore, #tpu.memory_space<semaphore_mem>>) src(%dma_wait3A_1040 : memref<128x16xf32, #tpu.memory_space<vmem>>) dst(%dma_wait3A_1037 : memref<128x16xf32, #tpu.memory_space<hbm>>)
    %dma_wait3A_1041 = arith.constant 256 : i32
    %dma_wait3A_1042 = arith.constant 0 : i32
    %dma_wait3A_1043 = tpu.memref_slice %arg11[%dma_wait3A_1041, %dma_wait3A_1042] : memref<512x16xf32, #tpu.memory_space<vmem>> -> memref<128x16xf32, #tpu.memory_space<vmem>>
    %dma_wait3A_1044 = arith.constant 0 : i32
    %dma_wait3A_1045 = tpu.memref_slice %arg6[%add3A_870, %dma_wait3A_1044] : memref<16384x128xf32, #tpu.memory_space<hbm>> -> memref<128x16xf32, #tpu.memory_space<hbm>>
    %dma_wait3A_1046 = arith.constant 0 : i32
    %dma_wait3A_1047 = tpu.memref_slice %arg6[%add3A_870, %dma_wait3A_1046] : memref<16384x128xf32, #tpu.memory_space<hbm>> -> memref<128x16xf32, #tpu.memory_space<hbm>>
    %dma_wait3A_1048 = arith.constant 256 : i32
    %dma_wait3A_1049 = arith.constant 0 : i32
    %dma_wait3A_1050 = tpu.memref_slice %arg11[%dma_wait3A_1048, %dma_wait3A_1049] : memref<512x16xf32, #tpu.memory_space<vmem>> -> memref<128x16xf32, #tpu.memory_space<vmem>>
    tpu.wait_dma2 semaphore(%arg16 : memref<!tpu.dma_semaphore, #tpu.memory_space<semaphore_mem>>) src(%dma_wait3A_1050 : memref<128x16xf32, #tpu.memory_space<vmem>>) dst(%dma_wait3A_1047 : memref<128x16xf32, #tpu.memory_space<hbm>>)
    %dma_wait3A_1051 = arith.constant 256 : i32
    %dma_wait3A_1052 = arith.constant 0 : i32
    %dma_wait3A_1053 = tpu.memref_slice %arg12[%dma_wait3A_1051, %dma_wait3A_1052] : memref<512x16xf32, #tpu.memory_space<vmem>> -> memref<128x16xf32, #tpu.memory_space<vmem>>
    %dma_wait3A_1054 = arith.constant 16 : i32
    %dma_wait3A_1055 = tpu.memref_slice %arg6[%add3A_870, %dma_wait3A_1054] : memref<16384x128xf32, #tpu.memory_space<hbm>> -> memref<128x16xf32, #tpu.memory_space<hbm>>
    %dma_wait3A_1056 = arith.constant 16 : i32
    %dma_wait3A_1057 = tpu.memref_slice %arg6[%add3A_870, %dma_wait3A_1056] : memref<16384x128xf32, #tpu.memory_space<hbm>> -> memref<128x16xf32, #tpu.memory_space<hbm>>
    %dma_wait3A_1058 = arith.constant 256 : i32
    %dma_wait3A_1059 = arith.constant 0 : i32
    %dma_wait3A_1060 = tpu.memref_slice %arg12[%dma_wait3A_1058, %dma_wait3A_1059] : memref<512x16xf32, #tpu.memory_space<vmem>> -> memref<128x16xf32, #tpu.memory_space<vmem>>
    tpu.wait_dma2 semaphore(%arg16 : memref<!tpu.dma_semaphore, #tpu.memory_space<semaphore_mem>>) src(%dma_wait3A_1060 : memref<128x16xf32, #tpu.memory_space<vmem>>) dst(%dma_wait3A_1057 : memref<128x16xf32, #tpu.memory_space<hbm>>)
    %dma_wait3A_1061 = arith.constant 256 : i32
    %dma_wait3A_1062 = arith.constant 0 : i32
    %dma_wait3A_1063 = tpu.memref_slice %arg13[%dma_wait3A_1061, %dma_wait3A_1062] : memref<512x16xf32, #tpu.memory_space<vmem>> -> memref<128x16xf32, #tpu.memory_space<vmem>>
    %dma_wait3A_1064 = arith.constant 32 : i32
    %dma_wait3A_1065 = tpu.memref_slice %arg6[%add3A_870, %dma_wait3A_1064] : memref<16384x128xf32, #tpu.memory_space<hbm>> -> memref<128x16xf32, #tpu.memory_space<hbm>>
    %dma_wait3A_1066 = arith.constant 32 : i32
    %dma_wait3A_1067 = tpu.memref_slice %arg6[%add3A_870, %dma_wait3A_1066] : memref<16384x128xf32, #tpu.memory_space<hbm>> -> memref<128x16xf32, #tpu.memory_space<hbm>>
    %dma_wait3A_1068 = arith.constant 256 : i32
    %dma_wait3A_1069 = arith.constant 0 : i32
    %dma_wait3A_1070 = tpu.memref_slice %arg13[%dma_wait3A_1068, %dma_wait3A_1069] : memref<512x16xf32, #tpu.memory_space<vmem>> -> memref<128x16xf32, #tpu.memory_space<vmem>>
    tpu.wait_dma2 semaphore(%arg16 : memref<!tpu.dma_semaphore, #tpu.memory_space<semaphore_mem>>) src(%dma_wait3A_1070 : memref<128x16xf32, #tpu.memory_space<vmem>>) dst(%dma_wait3A_1067 : memref<128x16xf32, #tpu.memory_space<hbm>>)
    %dma_wait3A_1071 = arith.constant 384 : i32
    %dma_wait3A_1072 = arith.constant 0 : i32
    %dma_wait3A_1073 = tpu.memref_slice %arg11[%dma_wait3A_1071, %dma_wait3A_1072] : memref<512x16xf32, #tpu.memory_space<vmem>> -> memref<128x16xf32, #tpu.memory_space<vmem>>
    %dma_wait3A_1074 = arith.constant 0 : i32
    %dma_wait3A_1075 = tpu.memref_slice %arg6[%add3A_926, %dma_wait3A_1074] : memref<16384x128xf32, #tpu.memory_space<hbm>> -> memref<128x16xf32, #tpu.memory_space<hbm>>
    %dma_wait3A_1076 = arith.constant 0 : i32
    %dma_wait3A_1077 = tpu.memref_slice %arg6[%add3A_926, %dma_wait3A_1076] : memref<16384x128xf32, #tpu.memory_space<hbm>> -> memref<128x16xf32, #tpu.memory_space<hbm>>
    %dma_wait3A_1078 = arith.constant 384 : i32
    %dma_wait3A_1079 = arith.constant 0 : i32
    %dma_wait3A_1080 = tpu.memref_slice %arg11[%dma_wait3A_1078, %dma_wait3A_1079] : memref<512x16xf32, #tpu.memory_space<vmem>> -> memref<128x16xf32, #tpu.memory_space<vmem>>
    tpu.wait_dma2 semaphore(%arg16 : memref<!tpu.dma_semaphore, #tpu.memory_space<semaphore_mem>>) src(%dma_wait3A_1080 : memref<128x16xf32, #tpu.memory_space<vmem>>) dst(%dma_wait3A_1077 : memref<128x16xf32, #tpu.memory_space<hbm>>)
    %dma_wait3A_1081 = arith.constant 384 : i32
    %dma_wait3A_1082 = arith.constant 0 : i32
    %dma_wait3A_1083 = tpu.memref_slice %arg12[%dma_wait3A_1081, %dma_wait3A_1082] : memref<512x16xf32, #tpu.memory_space<vmem>> -> memref<128x16xf32, #tpu.memory_space<vmem>>
    %dma_wait3A_1084 = arith.constant 16 : i32
    %dma_wait3A_1085 = tpu.memref_slice %arg6[%add3A_926, %dma_wait3A_1084] : memref<16384x128xf32, #tpu.memory_space<hbm>> -> memref<128x16xf32, #tpu.memory_space<hbm>>
    %dma_wait3A_1086 = arith.constant 16 : i32
    %dma_wait3A_1087 = tpu.memref_slice %arg6[%add3A_926, %dma_wait3A_1086] : memref<16384x128xf32, #tpu.memory_space<hbm>> -> memref<128x16xf32, #tpu.memory_space<hbm>>
    %dma_wait3A_1088 = arith.constant 384 : i32
    %dma_wait3A_1089 = arith.constant 0 : i32
    %dma_wait3A_1090 = tpu.memref_slice %arg12[%dma_wait3A_1088, %dma_wait3A_1089] : memref<512x16xf32, #tpu.memory_space<vmem>> -> memref<128x16xf32, #tpu.memory_space<vmem>>
    tpu.wait_dma2 semaphore(%arg16 : memref<!tpu.dma_semaphore, #tpu.memory_space<semaphore_mem>>) src(%dma_wait3A_1090 : memref<128x16xf32, #tpu.memory_space<vmem>>) dst(%dma_wait3A_1087 : memref<128x16xf32, #tpu.memory_space<hbm>>)
    %dma_wait3A_1091 = arith.constant 384 : i32
    %dma_wait3A_1092 = arith.constant 0 : i32
    %dma_wait3A_1093 = tpu.memref_slice %arg13[%dma_wait3A_1091, %dma_wait3A_1092] : memref<512x16xf32, #tpu.memory_space<vmem>> -> memref<128x16xf32, #tpu.memory_space<vmem>>
    %dma_wait3A_1094 = arith.constant 32 : i32
    %dma_wait3A_1095 = tpu.memref_slice %arg6[%add3A_926, %dma_wait3A_1094] : memref<16384x128xf32, #tpu.memory_space<hbm>> -> memref<128x16xf32, #tpu.memory_space<hbm>>
    %dma_wait3A_1096 = arith.constant 32 : i32
    %dma_wait3A_1097 = tpu.memref_slice %arg6[%add3A_926, %dma_wait3A_1096] : memref<16384x128xf32, #tpu.memory_space<hbm>> -> memref<128x16xf32, #tpu.memory_space<hbm>>
    %dma_wait3A_1098 = arith.constant 384 : i32
    %dma_wait3A_1099 = arith.constant 0 : i32
    %dma_wait3A_1100 = tpu.memref_slice %arg13[%dma_wait3A_1098, %dma_wait3A_1099] : memref<512x16xf32, #tpu.memory_space<vmem>> -> memref<128x16xf32, #tpu.memory_space<vmem>>
    tpu.wait_dma2 semaphore(%arg16 : memref<!tpu.dma_semaphore, #tpu.memory_space<semaphore_mem>>) src(%dma_wait3A_1100 : memref<128x16xf32, #tpu.memory_space<vmem>>) dst(%dma_wait3A_1097 : memref<128x16xf32, #tpu.memory_space<hbm>>)
    return
  }
}

module attributes {stable_mosaic.version = 14 : i64} {
  func.func @_mlp_body(%arg0: i32, %arg1: memref<6x8192xf32, #tpu.memory_space<vmem>>, %arg2: memref<8192x128xf32, #tpu.memory_space<vmem>>, %arg3: memref<6x128xf32, #tpu.memory_space<vmem>>, %arg4: memref<128x128xf32, #tpu.memory_space<vmem>>, %arg5: memref<1x128xf32, #tpu.memory_space<vmem>>, %arg6: memref<128x64xf32, #tpu.memory_space<vmem>>, %arg7: memref<1x64xf32, #tpu.memory_space<vmem>>, %arg8: memref<1x64xf32, #tpu.memory_space<vmem>>, %arg9: memref<1x1xf32, #tpu.memory_space<vmem>>, %arg10: memref<1x8192xf32, #tpu.memory_space<vmem>>) attributes {dimension_semantics = [#tpu.dimension_semantics<arbitrary>], iteration_bounds = array<i64: 2>, scalar_prefetch = 0 : i64, scratch_operands = 0 : i64, tpu.core_type = #tpu.core_type<tc>, window_params = [{transform_indices = @transform_0, window_bounds = array<i64: 6, 8192>}, {transform_indices = @transform_1, window_bounds = array<i64: 8192, 128>}, {pipeline_mode = #tpu.pipeline_mode<synchronous>, transform_indices = @transform_2, window_bounds = array<i64: 6, 128>}, {pipeline_mode = #tpu.pipeline_mode<synchronous>, transform_indices = @transform_3, window_bounds = array<i64: 128, 128>}, {pipeline_mode = #tpu.pipeline_mode<synchronous>, transform_indices = @transform_4, window_bounds = array<i64: 1, 128>}, {pipeline_mode = #tpu.pipeline_mode<synchronous>, transform_indices = @transform_5, window_bounds = array<i64: 128, 64>}, {pipeline_mode = #tpu.pipeline_mode<synchronous>, transform_indices = @transform_6, window_bounds = array<i64: 1, 64>}, {pipeline_mode = #tpu.pipeline_mode<synchronous>, transform_indices = @transform_7, window_bounds = array<i64: 1, 64>}, {pipeline_mode = #tpu.pipeline_mode<synchronous>, transform_indices = @transform_8, window_bounds = array<i64: 1, 1>}, {transform_indices = @transform_9, window_bounds = array<i64: 1, 8192>}]} {
    %iota3A = tpu.iota {dimensions = array<i32: 1>} : vector<1x128xi32>
    %lt3A = arith.constant 48 : i32
    %lt3A_0 = vector.broadcast %lt3A : i32 to vector<1x128xi32>
    %lt3A_1 = arith.cmpi slt, %iota3A, %lt3A_0 : vector<1x128xi32>
    %get3A = arith.constant 0 : index
    %get3A_2 = arith.constant 0 : index
    %get3A_3 = vector.load %arg2[%get3A, %get3A_2] : memref<8192x128xf32, #tpu.memory_space<vmem>>, vector<8192x128xf32>
    %jit3A = arith.constant 0.000000e+00 : f32
    %broadcast_in_dim3A = vector.shape_cast %lt3A_1 : vector<1x128xi1> to vector<1x128xi1>
    %broadcast_in_dim3A_4 = vector.broadcast %broadcast_in_dim3A : vector<1x128xi1> to vector<8192x128xi1>
    %broadcast_in_dim3A_5 = vector.broadcast %jit3A : f32 to vector<8192x128xf32>
    %select_n3A = arith.select %broadcast_in_dim3A_4, %get3A_3, %broadcast_in_dim3A_5 : vector<8192x128xi1>, vector<8192x128xf32>
    %get3A_6 = arith.constant 0 : index
    %get3A_7 = arith.constant 0 : index
    %get3A_8 = vector.load %arg1[%get3A_6, %get3A_7] : memref<6x8192xf32, #tpu.memory_space<vmem>>, vector<6x8192xf32>
    %get3A_9 = arith.constant 0 : index
    %get3A_10 = arith.constant 0 : index
    %get3A_11 = vector.load %arg3[%get3A_9, %get3A_10] : memref<6x128xf32, #tpu.memory_space<vmem>>, vector<6x128xf32>
    %dot_general3A = arith.constant dense<0.000000e+00> : vector<8192x128xf32>
    %dot_general3A_12 = tpu.matmul %get3A_8, %get3A_11, %dot_general3A {dimension_numbers = #tpu.dot_dimension_numbers<[0], [0], [1], [1], [0, 1, 1, 1], [], []>, transpose_lhs_hint = false} : vector<6x8192xf32>, vector<6x128xf32>, vector<8192x128xf32> -> vector<8192x128xf32>
    %convert_element_type3A = arith.truncf %select_n3A : vector<8192x128xf32> to vector<8192x128xbf16>
    %get3A_13 = arith.constant 0 : index
    %get3A_14 = arith.constant 0 : index
    %get3A_15 = vector.load %arg4[%get3A_13, %get3A_14] : memref<128x128xf32, #tpu.memory_space<vmem>>, vector<128x128xf32>
    %convert_element_type3A_16 = arith.truncf %get3A_15 : vector<128x128xf32> to vector<128x128xbf16>
    %dot_general3A_17 = arith.constant dense<0.000000e+00> : vector<8192x128xf32>
    %dot_general3A_18 = tpu.matmul %convert_element_type3A, %convert_element_type3A_16, %dot_general3A_17 {dimension_numbers = #tpu.dot_dimension_numbers<[1], [0], [0], [1], [0, 0, 1, 1], [], []>, transpose_lhs_hint = false} : vector<8192x128xbf16>, vector<128x128xbf16>, vector<8192x128xf32> -> vector<8192x128xf32>
    %add3A = arith.addf %dot_general3A_12, %dot_general3A_18 : vector<8192x128xf32>
    %get3A_19 = arith.constant 0 : index
    %get3A_20 = arith.constant 0 : index
    %get3A_21 = vector.load %arg5[%get3A_19, %get3A_20] : memref<1x128xf32, #tpu.memory_space<vmem>>, vector<1x128xf32>
    %add3A_22 = vector.broadcast %get3A_21 : vector<1x128xf32> to vector<8192x128xf32>
    %add3A_23 = arith.addf %add3A, %add3A_22 : vector<8192x128xf32>
    %max3A = arith.constant 0.000000e+00 : f32
    %max3A_24 = vector.broadcast %max3A : f32 to vector<8192x128xf32>
    %max3A_25 = arith.maximumf %add3A_23, %max3A_24 : vector<8192x128xf32>
    %convert_element_type3A_26 = arith.truncf %max3A_25 : vector<8192x128xf32> to vector<8192x128xbf16>
    %get3A_27 = arith.constant 0 : index
    %get3A_28 = arith.constant 0 : index
    %get3A_29 = vector.load %arg6[%get3A_27, %get3A_28] : memref<128x64xf32, #tpu.memory_space<vmem>>, vector<128x64xf32>
    %convert_element_type3A_30 = arith.truncf %get3A_29 : vector<128x64xf32> to vector<128x64xbf16>
    %dot_general3A_31 = arith.constant dense<0.000000e+00> : vector<8192x64xf32>
    %dot_general3A_32 = tpu.matmul %convert_element_type3A_26, %convert_element_type3A_30, %dot_general3A_31 {dimension_numbers = #tpu.dot_dimension_numbers<[1], [0], [0], [1], [0, 0, 1, 1], [], []>, transpose_lhs_hint = false} : vector<8192x128xbf16>, vector<128x64xbf16>, vector<8192x64xf32> -> vector<8192x64xf32>
    %get3A_33 = arith.constant 0 : index
    %get3A_34 = arith.constant 0 : index
    %get3A_35 = vector.load %arg7[%get3A_33, %get3A_34] : memref<1x64xf32, #tpu.memory_space<vmem>>, vector<1x64xf32>
    %add3A_36 = vector.broadcast %get3A_35 : vector<1x64xf32> to vector<8192x64xf32>
    %add3A_37 = arith.addf %dot_general3A_32, %add3A_36 : vector<8192x64xf32>
    %max3A_38 = arith.constant 0.000000e+00 : f32
    %max3A_39 = vector.broadcast %max3A_38 : f32 to vector<8192x64xf32>
    %max3A_40 = arith.maximumf %add3A_37, %max3A_39 : vector<8192x64xf32>
    %get3A_41 = arith.constant 0 : index
    %get3A_42 = arith.constant 0 : index
    %get3A_43 = vector.load %arg8[%get3A_41, %get3A_42] : memref<1x64xf32, #tpu.memory_space<vmem>>, vector<1x64xf32>
    %dot_general3A_44 = arith.constant dense<0.000000e+00> : vector<1x8192xf32>
    %dot_general3A_45 = tpu.matmul %get3A_43, %max3A_40, %dot_general3A_44 {dimension_numbers = #tpu.dot_dimension_numbers<[1], [1], [0], [0], [0, 0, 1, 0], [], []>, transpose_lhs_hint = false} : vector<1x64xf32>, vector<8192x64xf32>, vector<1x8192xf32> -> vector<1x8192xf32>
    %get3A_46 = arith.constant 0 : index
    %get3A_47 = arith.constant 0 : index
    %get3A_48 = vector.load %arg9[%get3A_46, %get3A_47] : memref<1x1xf32, #tpu.memory_space<vmem>>, vector<1x1xf32>
    %add3A_49 = vector.broadcast %get3A_48 : vector<1x1xf32> to vector<1x8192xf32>
    %add3A_50 = arith.addf %dot_general3A_45, %add3A_49 : vector<1x8192xf32>
    %swap3A = arith.constant 0 : index
    %swap3A_51 = arith.constant 0 : index
    %swap3A_52 = vector.load %arg10[%swap3A, %swap3A_51] : memref<1x8192xf32, #tpu.memory_space<vmem>>, vector<1x8192xf32>
    tpu.vector_store %arg10[%swap3A, %swap3A_51], %add3A_50 {strides = array<i32>} : memref<1x8192xf32, #tpu.memory_space<vmem>>, vector<1x8192xf32>,
    return
  }
  func.func @transform_0(%arg0: i32) -> (i32, i32) {
    %c0_i32 = arith.constant 0 : i32
    %c0_i32_0 = arith.constant 0 : i32
    return %c0_i32, %arg0 : i32, i32
  }
  func.func @transform_1(%arg0: i32) -> (i32, i32) {
    %c0_i32 = arith.constant 0 : i32
    %c0_i32_0 = arith.constant 0 : i32
    return %arg0, %c0_i32 : i32, i32
  }
  func.func @transform_2(%arg0: i32) -> (i32, i32) {
    %c0_i32 = arith.constant 0 : i32
    %c0_i32_0 = arith.constant 0 : i32
    %c0_i32_1 = arith.constant 0 : i32
    return %c0_i32, %c0_i32_0 : i32, i32
  }
  func.func @transform_3(%arg0: i32) -> (i32, i32) {
    %c0_i32 = arith.constant 0 : i32
    %c0_i32_0 = arith.constant 0 : i32
    %c0_i32_1 = arith.constant 0 : i32
    return %c0_i32, %c0_i32_0 : i32, i32
  }
  func.func @transform_4(%arg0: i32) -> (i32, i32) {
    %c0_i32 = arith.constant 0 : i32
    %c0_i32_0 = arith.constant 0 : i32
    %c0_i32_1 = arith.constant 0 : i32
    return %c0_i32, %c0_i32_0 : i32, i32
  }
  func.func @transform_5(%arg0: i32) -> (i32, i32) {
    %c0_i32 = arith.constant 0 : i32
    %c0_i32_0 = arith.constant 0 : i32
    %c0_i32_1 = arith.constant 0 : i32
    return %c0_i32, %c0_i32_0 : i32, i32
  }
  func.func @transform_6(%arg0: i32) -> (i32, i32) {
    %c0_i32 = arith.constant 0 : i32
    %c0_i32_0 = arith.constant 0 : i32
    %c0_i32_1 = arith.constant 0 : i32
    return %c0_i32, %c0_i32_0 : i32, i32
  }
  func.func @transform_7(%arg0: i32) -> (i32, i32) {
    %c0_i32 = arith.constant 0 : i32
    %c0_i32_0 = arith.constant 0 : i32
    %c0_i32_1 = arith.constant 0 : i32
    return %c0_i32, %c0_i32_0 : i32, i32
  }
  func.func @transform_8(%arg0: i32) -> (i32, i32) {
    %c0_i32 = arith.constant 0 : i32
    %c0_i32_0 = arith.constant 0 : i32
    %c0_i32_1 = arith.constant 0 : i32
    return %c0_i32, %c0_i32_0 : i32, i32
  }
  func.func @transform_9(%arg0: i32) -> (i32, i32) {
    %c0_i32 = arith.constant 0 : i32
    %c0_i32_0 = arith.constant 0 : i32
    return %c0_i32, %arg0 : i32, i32
  }
}

</mosaic_0001>

<sc_bundles>
// kernel: kernel.4.cloned.1.call-start
scs
__scs_entry_jumppad:
0x0: {  	(pc) =	sbr.rel $0x88, $3  }
0x1: {  	(tag) =	ssettag $0x0;
	lr =	simm.s32 $0x1  }
0x2: {  	[smem:$0x3F94] =	sst lr;
	_ =	strace $0xD0000000  }
0x3: {  	_ = 	snop  }
0x4: {  	_ = 	snop  }
0x5: {  	_ = 	snop  }
0x6: {  	_ = 	snop  }
0x7: {  	_ = 	snop  }
__scs_overlays_trampoline_lowered:
0x8: {  	[smem:$0x3FA3] =	sst s0  }
0x9: {  	[smem:$0x3FA4] =	sst s1  }
0xa: {  	[smem:$0x3FA5] =	sst s2  }
0xb: {  	[smem:$0x3FA6] =	sst s3  }
0xc: {  	[smem:$0x3FA7] =	sst s4  }
0xd: {  	[smem:$0x3FA8] =	sst s5  }
0xe: {  	[smem:$0x3FA9] =	sst s6  }
0xf: {  	[smem:$0x3FAA] =	sst s7  }
0x10: {  	[smem:$0x3FAB] =	sst s8  }
0x11: {  	[smem:$0x3FAC] =	sst s9;
	s0 =	simm.s32 @!p0 $0x0  }
0x12: {  	s1 =	sld [smem:$0x3F92];
	s0 =	simm.s32 @p0 $0x1  }
0x13: {  	[smem:$0x3FAD] =	sst s0;
	s0 =	simm.s32 @!p1 $0x0  }
0x14: {  	s2 =	sld [smem:$0x3F91];
	s0 =	simm.s32 @p1 $0x1  }
0x15: {  	[smem:$0x3FAE] =	sst s0;
	s0 =	simm.s32 @!p2 $0x0  }
0x16: {  	s3 =	sld [smem:$0x3FDB];
	s0 =	simm.s32 @p2 $0x1  }
0x17: {  	s4 =	simm.s32 $0x1BF5;
	[smem:$0x3FB0] =	sst s0  }
0x18: {  	s0 =	sld [smem:$0x3F93];
	_ =	swait.ge [sflag:s4], $0x0  }
0x19: {  	s7 =	sld [smem:$0x3F94]  }
0x1a: {  	s8 =	sadd.s32 $0xFFFFE003, lr  }
0x1b: {  	s9 =	sadd.s32 $0xFFFFFEF7, lr;
	s5 =	simm.s32 $0xFFFFFFFF;
	p2 =	slt.u32 s8, $0xFFFFF086  }
0x1c: {  	p1 =	slt.u32 s9, $0xF7A;
	s5 =	simm.s32 @!p2 $0x0  }
0x1d: {  	s5 =	simm.s32 @p1 $0x1;
	p0 =	seq.s32 s7, s2  }
0x1e: {  	s7 =	smul.u32 @!p0 $0xF7A, s2;
	p2 =	seq.s32 @!p0 s5, $0x0  }
0x1f: {  	s9 =	smul.u32 $0xF7A, s1;
	s8 =	simm.s32 @!p0 $0x1BF5;
	p2 =	por !p2, p0  }
0x20: {  	[sflag:s8] =	ssyncset.s32 @!p0 $0xFFFFF086;
	s6 =	sadd.s32 @!p0 s3, s7;
	s7 =	simm.s32 @!p0 $0x108  }
0x21: {  	s3 =	sadd.s32 s3, s9;
	s6 =	sadd.s32 @!p0 $0x88, s6;
	s7 =	simm.s32 @p2 $0x1082  }
0x22: {  	[simem:s7], [sflag:s8] =	dma.local @!p0 [hbm:s6], $0xF7A  }
0x23: {  	s9 =	sor.u32 $0xD0000000, s2;
	s6 =	simm.s32 $0x108;
	_ =	swait.ge @!p0 [sflag:s8], $0x0  }
0x24: {  	s3 =	sadd.s32 $0x88, s3;
	s6 =	simm.s32 @!p1 $0x1082;
	[sflag:s4] =	ssyncset.s32 $0xFFFFF086  }
0x25: {  	[simem:s6], [sflag:s4] =	dma.local [hbm:s3], $0xF7A  }
0x26: {  	[smem:$0x3F94] =	sst s1;
	(tag) =	ssettag s2;
	_ =	strace s9  }
0x27: {  	s1 =	sld [smem:$0x3FA4]  }
0x28: {  	s2 =	sld [smem:$0x3FA5]  }
0x29: {  	s4 =	sld [smem:$0x3FA7]  }
0x2a: {  	p0 =	seq.s32 s5, $0x0;
	s5 =	sld [smem:$0x3FA8]  }
0x2b: {  	s6 =	sld [smem:$0x3FA9]  }
0x2c: {  	s7 =	sld [smem:$0x3FAA]  }
0x2d: {  	s3 =	simm.s32 $0x108;
	s8 =	sld [smem:$0x3FAB]  }
0x2e: {  	s3 =	simm.s32 @!p0 $0x1082;
	s9 =	sld [smem:$0x3FAC]  }
0x2f: {  	lr =	sadd.s32 s0, s3;
	s0 =	sld [smem:$0x3FA3]  }
0x30: {  	s3 =	sld [smem:$0x3FA6]  }
0x31: {  	[smem:$0x3FAF] =	sst s10  }
0x32: {  	s10 =	sld [smem:$0x3FAD];
	_ =	sdelay $0x3  }
0x33: {  	p0 =	seq.s32 s10, $0x1;
	s10 =	sld [smem:$0x3FAF];
	_ =	sdelay $0x3  }
0x34: {  	[smem:$0x3FAF] =	sst s10  }
0x35: {  	s10 =	sld [smem:$0x3FAE];
	_ =	sdelay $0x3  }
0x36: {  	p1 =	seq.s32 s10, $0x1;
	s10 =	sld [smem:$0x3FAF];
	_ =	sdelay $0x3  }
0x37: {  	[smem:$0x3FAF] =	sst s10  }
0x38: {  	s10 =	sld [smem:$0x3FB0]  }
0x39: {  	_ = 	snop;
	(pc) =	sbr.ind lr, $3  }
0x3a: {  	_ = 	snop  }
0x3b: {  	_ = 	snop  }
0x3c: {  	p2 =	seq.s32 s10, $0x1;
	s10 =	sld [smem:$0x3FAF]  }
0x3d: {  	_ =	shalt  }
0x3e: {  	_ =	shalt  }
0x3f: {  	_ =	shalt  }
0x40: {  	_ =	shalt  }
0x41: {  	_ =	shalt  }
0x42: {  	_ =	shalt  }
0x43: {  	_ =	shalt  }
0x44: {  	_ =	shalt  }
0x45: {  	_ =	shalt  }
0x46: {  	_ =	shalt  }
0x47: {  	_ =	shalt  }
0x48: {  	_ =	shalt  }
0x49: {  	_ =	shalt  }
0x4a: {  	_ =	shalt  }
0x4b: {  	_ =	shalt  }
0x4c: {  	_ =	shalt  }
0x4d: {  	_ =	shalt  }
0x4e: {  	_ =	shalt  }
0x4f: {  	_ =	shalt  }
0x50: {  	_ =	shalt  }
0x51: {  	_ =	shalt  }
0x52: {  	_ =	shalt  }
0x53: {  	_ =	shalt  }
0x54: {  	_ =	shalt  }
0x55: {  	_ =	shalt  }
0x56: {  	_ =	shalt  }
0x57: {  	_ =	shalt  }
0x58: {  	_ =	shalt  }
0x59: {  	_ =	shalt  }
0x5a: {  	_ =	shalt  }
0x5b: {  	_ =	shalt  }
0x5c: {  	_ =	shalt  }
0x5d: {  	_ =	shalt  }
0x5e: {  	_ =	shalt  }
0x5f: {  	_ =	shalt  }
0x60: {  	_ =	shalt  }
0x61: {  	_ =	shalt  }
0x62: {  	_ =	shalt  }
0x63: {  	_ =	shalt  }
0x64: {  	_ =	shalt  }
0x65: {  	_ =	shalt  }
0x66: {  	_ =	shalt  }
0x67: {  	_ =	shalt  }
0x68: {  	_ =	shalt  }
0x69: {  	_ =	shalt  }
0x6a: {  	_ =	shalt  }
0x6b: {  	_ =	shalt  }
0x6c: {  	_ =	shalt  }
0x6d: {  	_ =	shalt  }
0x6e: {  	_ =	shalt  }
0x6f: {  	_ =	shalt  }
0x70: {  	_ =	shalt  }
0x71: {  	_ =	shalt  }
0x72: {  	_ =	shalt  }
0x73: {  	_ =	shalt  }
0x74: {  	_ =	shalt  }
0x75: {  	_ =	shalt  }
0x76: {  	_ =	shalt  }
0x77: {  	_ =	shalt  }
0x78: {  	_ =	shalt  }
0x79: {  	_ =	shalt  }
0x7a: {  	_ =	shalt  }
0x7b: {  	_ =	shalt  }
0x7c: {  	_ =	shalt  }
0x7d: {  	_ =	shalt  }
0x7e: {  	_ =	shalt  }
0x7f: {  	_ =	shalt  }
0x80: {  	_ =	shalt  }
0x81: {  	_ =	shalt  }
0x82: {  	_ =	shalt  }
0x83: {  	_ =	shalt  }
0x84: {  	_ =	shalt  }
0x85: {  	_ =	shalt  }
0x86: {  	_ =	shalt  }
0x87: {  	_ =	shalt  }
.Lfunc_end0:
.L_simem_size_0:
called_computation_lowered:
.L_overlay_start_0:
0x88: {  	s2 =	sld [smem:$0x3FD9]  }
0x89: {  	s3 =	sld [smem:$0x3FFE];
	_ =	sdelay $0x1  }
0x8a: {  	s1 =	srdreg.scid  }
0x8b: {  	s0 =	sand.u32 $0x1, s1  }
0x8c: {  	s17 =	sshll.u32 s0, $0xA;
	s2 =	sadd.s32 s3, s2  }
0x8d: {  	s2 =	sadd.s32 s2, s17  }
0x8e: {  	[smem:$0x3FBB] =	sst s2  }
0x8f: {  	_ = 	snop  }
0x90: {  	s2 =	sld [smem:$0x3FC9]  }
0x91: {  	s18 =	sld [smem:$0x3FC8]  }
0x92: {  	s4 =	sld [smem:$0x3FC7];
	(tm) =	ssettm $0x1  }
0x93: {  	s5 =	sld [smem:$0x3FFB];
	_ =	sdelay $0x3  }
0x94: {  	_ =	strace s5  }
0x95: {  	s5 =	sld [smem:$0x3FFC];
	_ =	sdelay $0x3  }
0x96: {  	_ =	strace s5  }
0x97: {  	s5 =	sld [smem:$0x3FFD];
	_ =	sdelay $0x3  }
0x98: {  	_ =	strace s5  }
0x99: {  	_ =	strace $0x8FFFFFFF  }
0x9a: {  	s19 =	sld [smem:$0x3FDB];
	_ =	sdelay $0x1  }
0x9b: {  	s6 =	simm.s32 $_scs_section_size  }
0x9c: {  	s7 =	simm.s32 $_size__tile_overlayer_lowered;
	s8 =	simm.s32 $_tile_overlayer_lowered  }
0x9d: {  	s22 =	simm.s32 $0x1BFF;
	s21 =	sshll.u32 s8, $0x1;
	s5 =	sadd.s32 s6, s19  }
0x9e: {  	s9 =	simm.s32 $0x0;
	s20 =	sshll.u32 s7, $0x1;
	s7 =	sadd.s32 s21, s5  }
0x9f: {  	[timem:s9], [sflag:s22] =	dma.local [hbm:s7], s20  }
0xa0: {  	_ =	swait.ge [sflag:s22], s20  }
0xa1: {  	s6 =	ssub.s32 $0x0, s20;
	[sflag:s22] =	ssyncset.done $0x0  }
0xa2: {  	[sflag:s22] =	ssyncadd.s32 s6;
	_ =	sdelay $0x1  }
0xa3: {  	s23 =	simm.s32 $0x1B8B  }
0xa4: {  	_ =	swait.ge [sflag:s23], $0x1  }
0xa5: {  	[sflag:s23] =	ssyncset.done $0x0  }
0xa6: {  	s25 =	simm.s32 $0x1B8E;
	s24 =	sld [smem:$0x3FFE];
	[sflag:s23] =	ssyncadd.s32 $0xFFFFFFFF  }
0xa7: {  	s26 =	simm.s32 $execute0_lowered;
	[smem:$0x3FD2] =	sst s25  }
0xa8: {  	s7 =	sshll.u32 s26, $0x1;
	_ =	strace $0x80000046;
	[dreg:$0x1] =	wrdreg $0xFFFFFFFF  }
0xa9: {  	s28 =	simm.s32 $_size_execute0_lowered;
	s5 =	sadd.s32 s5, s7;
	[dreg:$0x0] =	wrdreg $0x0  }
0xaa: {  	s7 =	sshll.u32 s28, $0x1;
	[dreg:$0x2] =	wrdreg s5  }
0xab: {  	[dreg:$0x3] =	wrdreg s7  }
0xac: {  	[dreg:$0x4] =	wrdreg $0xC0  }
0xad: {  	_ =	task [dreg:s9], $0x5FFFF  }
0xae: {  	[dreg:$0x1] =	wrdreg $0xFFFFFFFF  }
0xaf: {  	[dreg:$0x0] =	wrdreg $0x60  }
0xb0: {  	[dreg:$0x2] =	wrdreg s2  }
0xb1: {  	[dreg:$0x3] =	wrdreg s18  }
0xb2: {  	[dreg:$0x4] =	wrdreg s4  }
0xb3: {  	[dreg:$0x5] =	wrdreg s24  }
0xb4: {  	[dreg:$0x6] =	wrdreg $0x0  }
0xb5: {  	[dreg:$0x7] =	wrdreg $0x9  }
0xb6: {  	_ =	task.clear_ibuf [dreg:s9], $0x8FFFF;
	_ =	strace $0x90000046  }
0xb7: {  	s29 =	simm.s32 $0x9;
	_ =	strace $0x80000048  }
0xb8: {  	_ =	swait.ge [sflag:s29], $0x1  }
0xb9: {  	[sflag:s29] =	ssyncadd.s32 $0xFFFFFFFF  }
0xba: {  	_ =	strace $0x90000048  }
0xbb: {  	_ =	sfence  }
0xbc: {  	s30 =	sld [smem:$0x0];
	_ =	sdelay $0x2  }
0xbd: {  	s31 =	sshll.u32 s1, $0xD;
	s1 =	sshrl.u32 s1, $0x2  }
0xbe: {  	s3 =	sand.u32 $0x4000, s31;
	s1 =	sadd.s32 s1, s30  }
0xbf: {  	s0 =	sor.u32 s3, s0;
	s1 =	sshll.u32 s1, $0x11  }
0xc0: {  	s0 =	sor.u32 s1, s0  }
0xc1: {  	s0 =	sadd.s32 $0x8F2B, s0  }
0xc2: {  	[sflag:s0] =	ssyncadd.remote.s32 $0x1  }
0xc3: {  	_ =	sfence.sel $0xFFFF  }
0xc4: {  	[dreg:$0x0] =	wrdreg $0xFFFFFFFF;
	(pc) =	sbr.abs _section_cstart, $3  }
0xc5: {  	[dreg:$0x1] =	wrdreg $0xFFFFFFFF  }
0xc6: {  	_ =	task.clear_ibuf [dreg:s9], $0x2FFFF;
	_ =	strace $0x9FFFFFFF  }
0xc7: {  	(tm) =	ssettm $0x7FFFFFFF  }
tec
execute0_lowered:
.L_overlay_start_1:
0x0: {  	(tag) =	ssettag $0x1  }
0x1: {  	s0 =	rddreg [dreg:$0x0]  }
0x2: {  	s4 =	rddreg [dreg:$0x1]  }
0x3: {  	s5 =	rddreg [dreg:$0x2]  }
0x4: {  	s6 =	rddreg [dreg:$0x3];
	s3 =	srdreg.scid  }
0x5: {  	s2 =	rddreg [dreg:$0x4];
	s1 =	stileid.u32;
	s28 =	simm.s32 $0x1420  }
0x6: {  	s29 =	simm.s32 $0x6CA0;
	s30 =	simm.s32 $0x2;
	s7 =	sand.u32 $0x1, s3  }
0x7: {  	s8 =	sshll.u32 s1, $0xA;
	s3 =	simm.s32 $0x0;
	s10 =	smul.u32 $0xEA0, s1  }
0x8: {  	s26 =	sshll.u32 s1, $0x6;
	s9 =	sshll.u32 s7, $0x9;
	[smem:$0x7FF] =	sst s3  }
0x9: {  	s1 =	sor.u32 $0x1C04, s26;
	s26 =	simm.s32 $0x1320;
	s8 =	sor.u32 s9, s8  }
0xa: {  	_ =	strace $0x80000047;
	[dreg:$0xa] =	wrdreg s1;
	s9 =	sshrl.u32 s8, $0x3  }
0xb: {  	s11 =	sshrl.u32 s10, $0x3;
	[dreg:$0x1a] =	wrdreg s26;
	s0 =	sadd.s32 s0, s9  }
0xc: {  	s11 =	sadd.s32 s11, s6;
	s22 =	sadd.s32 s4, s9;
	[dreg:$0x6] =	wrdreg s0  }
0xd: {  	s23 =	sshll.u32 s8, $0x4;
	s24 =	sadd.s32 s5, s9;
	[dreg:$0x7] =	wrdreg s22  }
0xe: {  	s25 =	sadd.s32 $0x1200, s11;
	s4 =	sadd.s32 s23, s6;
	[dreg:$0x8] =	wrdreg s24  }
0xf: {  	s31 =	simm.s32 $0x10;
	[dreg:$0x9] =	wrdreg s25;
	s5 =	sadd.s32 $0x3000, s4  }
0x10: {  	s17 =	ssub.s32 $0x2, s7;
	s6 =	sadd.s32 $0x3002, s4;
	[dreg:$0xb] =	wrdreg s5  }
0x11: {  	s7 =	simm.s32 $0x12A0;
	s8 =	sadd.s32 $0x3004, s4;
	[dreg:$0xc] =	wrdreg s6  }
0x12: {  	s19 =	sshrl.u32 s17, $0x1;
	s9 =	sadd.s32 $0x3800, s4;
	[dreg:$0xd] =	wrdreg s8  }
0x13: {  	s26 =	simm.s32 $0x4CA0;
	s11 =	sadd.s32 $0x3802, s4;
	[dreg:$0xe] =	wrdreg s9  }
0x14: {  	s21 =	ssub.s32 s17, s19;
	s12 =	sadd.s32 $0x3804, s4;
	[dreg:$0xf] =	wrdreg s11  }
0x15: {  	s13 =	sadd.s32 $0x4000, s4;
	s14 =	sadd.s32 $0x4002, s4;
	[dreg:$0x10] =	wrdreg s12  }
0x16: {  	s15 =	sadd.s32 $0x4004, s4;
	s16 =	sadd.s32 $0x4800, s4;
	[dreg:$0x11] =	wrdreg s13  }
0x17: {  	s18 =	sadd.s32 $0x4802, s4;
	s20 =	sadd.s32 $0x4804, s4;
	[dreg:$0x12] =	wrdreg s14  }
0x18: {  	s22 =	sadd.s32 s10, s2;
	s4 =	smax.u32 s21, $0x1;
	[dreg:$0x13] =	wrdreg s15  }
0x19: {  	s10 =	simm.s32 $0x80;
	s24 =	simm.s32 $0xF20;
	[dreg:$0x14] =	wrdreg s16  }
0x1a: {  	s25 =	simm.s32 $0x1120;
	s0 =	simm.s32 $0x3;
	[dreg:$0x15] =	wrdreg s18  }
0x1b: {  	[dreg:$0x16] =	wrdreg s20;
	s5 =	simm.s32 $0xEA0;
	s23 =	sshrl.u32 s22, $0x3  }
0x1c: {  	s6 =	simm.s32 $0x10A0;
	s8 =	simm.s32 $0x4;
	s9 =	simm.s32 $0x1  }
0x1d: {  	s11 =	simm.s32 $0x14A0;
	s12 =	simm.s32 $0x34A0;
	[dreg:$0x18] =	wrdreg s24  }
0x1e: {  	s13 =	simm.s32 $0x54A0;
	s14 =	simm.s32 $0x1CA0;
	[dreg:$0x19] =	wrdreg s25  }
0x1f: {  	s15 =	simm.s32 $0x3CA0;
	s16 =	simm.s32 $0x5CA0;
	s18 =	simm.s32 $0x24A0  }
0x20: {  	s20 =	simm.s32 $0x44A0;
	s22 =	simm.s32 $0x64A0;
	s24 =	simm.s32 $0x2CA0  }
0x21: {  	s25 =	simm.s32 $0x1220;
	[dreg:$0x17] =	wrdreg s23;
	s23 =	simm.s32 $0x1020  }
.LBB2_1:
0x22: {  	s1 =	rddreg [dreg:$0x6]  }
0x23: {  	s17 =	rddreg [dreg:$0x7]  }
0x24: {  	s19 =	rddreg [dreg:$0xa]  }
0x25: {  	s21 =	rddreg [dreg:$0x17]  }
0x26: {  	[tilespmem:s5], [sflag:$0x1] =	stream.linear.gather [hbm4b:s1+s3], $0x200, $0x38;
	[tilespmem:$0x74A0] =	vst v63  }
0x27: {  	s1 =	rddreg [dreg:$0x8]  }
0x28: {  	[tilespmem:s6], [sflag:$0x1] =	stream.linear.gather [hbm4b:s17+s3], $0x200, $0x38;
	[tilespmem:$0x74A0] =	vst v63  }
0x29: {  	s17 =	rddreg [dreg:$0x9]  }
0x2a: {  	[tilespmem:s7], [sflag:$0x1] =	stream.linear.gather [hbm4b:s1+s3], $0x200, $0x38;
	[tilespmem:$0x74A0] =	vst v63  }
0x2b: {  	[spmem:s21], [sflag:s19] =	dma.local [hbm:s17], $0x1D4  }
0x2c: {  	_ =	swait.ge [sflag:s8], $0x1D4  }
0x2d: {  	[sflag:s8] =	ssyncset.done $0x0  }
0x2e: {  	[sflag:s8] =	ssyncadd.s32 $0xFFFFFE2C  }
0x2f: {  	_ =	swait.ge [sflag:s9], $0x200  }
0x30: {  	[sflag:s9] =	ssyncset.done $0x0  }
0x31: {  	[sflag:s9] =	ssyncadd.s32 $0xFFFFFE00  }
0x32: {  	_ =	swait.ge [sflag:s9], $0x200  }
0x33: {  	[sflag:s9] =	ssyncset.done $0x0  }
0x34: {  	[sflag:s9] =	ssyncadd.s32 $0xFFFFFE00  }
0x35: {  	_ =	swait.ge [sflag:s9], $0x200  }
0x36: {  	[sflag:s9] =	ssyncset.done $0x0  }
0x37: {  	[sflag:s9] =	ssyncadd.s32 $0xFFFFFE00  }
0x38: {  	v0 =	vld [tilespmem:$0x10A0]  }
0x39: {  	v1 =	vld [tilespmem:$0x10B0]  }
0x3a: {  	v2 =	vld [tilespmem:$0x10C0]  }
0x3b: {  	v3 =	vld [tilespmem:$0x10D0]  }
0x3c: {  	v4 =	vld [tilespmem:$0x10E0]  }
0x3d: {  	v5 =	vld [tilespmem:$0x10F0];
	v0 =	vadd.s32 $0x1F4, v0  }
0x3e: {  	v57 =	vld [tilespmem:$0x1100];
	v56 =	vadd.s32 $0x1F4, v1;
	[tilespmem:$0x10A0] =	vst v0  }
0x3f: {  	v59 =	vld [tilespmem:$0x1110];
	v58 =	vadd.s32 $0x1F4, v2;
	[tilespmem:$0x10B0] =	vst v56  }
0x40: {  	v61 =	vld [tilespmem:$0x1120];
	v60 =	vadd.s32 $0x1F4, v3;
	[tilespmem:$0x10C0] =	vst v58  }
0x41: {  	v63 =	vld [tilespmem:$0x1130];
	v62 =	vadd.s32 $0x1F4, v4;
	[tilespmem:$0x10D0] =	vst v60  }
0x42: {  	v9 =	vld [tilespmem:$0x1140];
	v8 =	vadd.s32 $0x1F4, v5;
	[tilespmem:$0x10E0] =	vst v62  }
0x43: {  	v11 =	vld [tilespmem:$0x1150];
	v10 =	vadd.s32 $0x1F4, v57;
	[tilespmem:$0x10F0] =	vst v8  }
0x44: {  	v13 =	vld [tilespmem:$0x1160];
	v12 =	vadd.s32 $0x1F4, v59;
	[tilespmem:$0x1100] =	vst v10  }
0x45: {  	v15 =	vld [tilespmem:$0x1170];
	v14 =	vadd.s32 $0x1F4, v61;
	[tilespmem:$0x1110] =	vst v12  }
0x46: {  	v17 =	vld [tilespmem:$0x1180];
	v16 =	vadd.s32 $0x1F4, v63;
	[tilespmem:$0x1120] =	vst v14  }
0x47: {  	v19 =	vld [tilespmem:$0x1190];
	v18 =	vadd.s32 $0x1F4, v9;
	[tilespmem:$0x1130] =	vst v16  }
0x48: {  	v21 =	vld [tilespmem:$0x11A0];
	v20 =	vadd.s32 $0x1F4, v11;
	[tilespmem:$0x1140] =	vst v18  }
0x49: {  	v23 =	vld [tilespmem:$0x11B0];
	v22 =	vadd.s32 $0x1F4, v13;
	[tilespmem:$0x1150] =	vst v20  }
0x4a: {  	v25 =	vld [tilespmem:$0x11C0];
	v24 =	vadd.s32 $0x1F4, v15;
	[tilespmem:$0x1160] =	vst v22  }
0x4b: {  	v27 =	vld [tilespmem:$0x11D0];
	v26 =	vadd.s32 $0x1F4, v17;
	[tilespmem:$0x1170] =	vst v24  }
0x4c: {  	v29 =	vld [tilespmem:$0x11E0];
	v28 =	vadd.s32 $0x1F4, v19;
	[tilespmem:$0x1180] =	vst v26  }
0x4d: {  	v31 =	vld [tilespmem:$0x11F0];
	v30 =	vadd.s32 $0x1F4, v21;
	[tilespmem:$0x1190] =	vst v28  }
0x4e: {  	v33 =	vld [tilespmem:$0x1200];
	v32 =	vadd.s32 $0x1F4, v23;
	[tilespmem:$0x11A0] =	vst v30  }
0x4f: {  	v35 =	vld [tilespmem:$0x1210];
	v34 =	vadd.s32 $0x1F4, v25;
	[tilespmem:$0x11B0] =	vst v32  }
0x50: {  	v37 =	vld [tilespmem:$0x1220];
	v36 =	vadd.s32 $0x1F4, v27;
	[tilespmem:$0x11C0] =	vst v34  }
0x51: {  	v39 =	vld [tilespmem:$0x1230];
	v38 =	vadd.s32 $0x1F4, v29;
	[tilespmem:$0x11D0] =	vst v36  }
0x52: {  	v41 =	vld [tilespmem:$0x1240];
	v40 =	vadd.s32 $0x1F4, v31;
	[tilespmem:$0x11E0] =	vst v38  }
0x53: {  	v43 =	vld [tilespmem:$0x1250];
	v42 =	vadd.s32 $0x1F4, v33;
	[tilespmem:$0x11F0] =	vst v40  }
0x54: {  	v45 =	vld [tilespmem:$0x1260];
	v44 =	vadd.s32 $0x1F4, v35;
	[tilespmem:$0x1200] =	vst v42  }
0x55: {  	v55 =	vld [tilespmem:$0x12B0];
	v46 =	vadd.s32 $0x1F4, v37;
	[tilespmem:$0x1210] =	vst v44  }
0x56: {  	v47 =	vld [tilespmem:$0x1270];
	v48 =	vadd.s32 $0x1F4, v39;
	[tilespmem:$0x1220] =	vst v46  }
0x57: {  	v49 =	vld [tilespmem:$0x1280];
	v50 =	vadd.s32 $0x1F4, v41;
	[tilespmem:$0x1230] =	vst v48  }
0x58: {  	v51 =	vld [tilespmem:$0x1290];
	v52 =	vadd.s32 $0x1F4, v43;
	[tilespmem:$0x1240] =	vst v50  }
0x59: {  	v53 =	vld [tilespmem:$0x12A0];
	v54 =	vadd.s32 $0x1F4, v45;
	[tilespmem:$0x1250] =	vst v52  }
0x5a: {  	v57 =	vld [tilespmem:$0x12C0];
	v7 =	vadd.s32 $0xE74, v55;
	[tilespmem:$0x1260] =	vst v54  }
0x5b: {  	v59 =	vld [tilespmem:$0x12D0];
	v56 =	vadd.s32 $0x1F4, v47;
	[tilespmem:$0x12B0] =	vst v7  }
0x5c: {  	v61 =	vld [tilespmem:$0x12E0];
	v58 =	vadd.s32 $0x1F4, v49;
	[tilespmem:$0x1270] =	vst v56  }
0x5d: {  	v63 =	vld [tilespmem:$0x12F0];
	v60 =	vadd.s32 $0x1F4, v51;
	[tilespmem:$0x1280] =	vst v58  }
0x5e: {  	v62 =	vadd.s32 $0xE74, v53;
	v8 =	vld [tilespmem:$0x1300];
	[tilespmem:$0x1290] =	vst v60  }
0x5f: {  	v10 =	vld [tilespmem:$0x1310];
	[tilespmem:$0x12A0] =	vst v62;
	v9 =	vadd.s32 $0xE74, v57  }
0x60: {  	v12 =	vld [tilespmem:$0x1320];
	v11 =	vadd.s32 $0xE74, v59;
	[tilespmem:$0x12C0] =	vst v9  }
0x61: {  	v14 =	vld [tilespmem:$0x1330];
	v13 =	vadd.s32 $0xE74, v61;
	[tilespmem:$0x12D0] =	vst v11  }
0x62: {  	v16 =	vld [tilespmem:$0x1340];
	v15 =	vadd.s32 $0xE74, v63;
	[tilespmem:$0x12E0] =	vst v13  }
0x63: {  	v18 =	vld [tilespmem:$0x1350];
	[tilespmem:$0x12F0] =	vst v15;
	v17 =	vadd.s32 $0xE74, v8  }
0x64: {  	v20 =	vld [tilespmem:$0x1360];
	v19 =	vadd.s32 $0xE74, v10;
	[tilespmem:$0x1300] =	vst v17  }
0x65: {  	v22 =	vld [tilespmem:$0x1370];
	v21 =	vadd.s32 $0xE74, v12;
	[tilespmem:$0x1310] =	vst v19  }
0x66: {  	v24 =	vld [tilespmem:$0x1380];
	v23 =	vadd.s32 $0xE74, v14;
	[tilespmem:$0x1320] =	vst v21  }
0x67: {  	v26 =	vld [tilespmem:$0x1390];
	v25 =	vadd.s32 $0xE74, v16;
	[tilespmem:$0x1330] =	vst v23  }
0x68: {  	v28 =	vld [tilespmem:$0x13A0];
	v27 =	vadd.s32 $0xE74, v18;
	[tilespmem:$0x1340] =	vst v25  }
0x69: {  	v30 =	vld [tilespmem:$0x13B0];
	v29 =	vadd.s32 $0xE74, v20;
	[tilespmem:$0x1350] =	vst v27  }
0x6a: {  	v32 =	vld [tilespmem:$0x13C0];
	v31 =	vadd.s32 $0xE74, v22;
	[tilespmem:$0x1360] =	vst v29  }
0x6b: {  	v34 =	vld [tilespmem:$0x13D0];
	v33 =	vadd.s32 $0xE74, v24;
	[tilespmem:$0x1370] =	vst v31  }
0x6c: {  	v36 =	vld [tilespmem:$0x13E0];
	v35 =	vadd.s32 $0xE74, v26;
	[tilespmem:$0x1380] =	vst v33  }
0x6d: {  	v38 =	vld [tilespmem:$0x13F0];
	v37 =	vadd.s32 $0xE74, v28;
	[tilespmem:$0x1390] =	vst v35  }
0x6e: {  	v40 =	vld [tilespmem:$0x1400];
	v39 =	vadd.s32 $0xE74, v30;
	[tilespmem:$0x13A0] =	vst v37  }
0x6f: {  	v42 =	vld [tilespmem:$0x1410];
	v41 =	vadd.s32 $0xE74, v32;
	[tilespmem:$0x13B0] =	vst v39  }
0x70: {  	v44 =	vld [tilespmem:$0x1420];
	v43 =	vadd.s32 $0xE74, v34;
	[tilespmem:$0x13C0] =	vst v41  }
0x71: {  	v46 =	vld [tilespmem:$0x1430];
	v45 =	vadd.s32 $0xE74, v36;
	[tilespmem:$0x13D0] =	vst v43  }
0x72: {  	v48 =	vld [tilespmem:$0x1440];
	v47 =	vadd.s32 $0xE74, v38;
	[tilespmem:$0x13E0] =	vst v45  }
0x73: {  	v50 =	vld [tilespmem:$0x1450];
	v49 =	vadd.s32 $0xE74, v40;
	[tilespmem:$0x13F0] =	vst v47  }
0x74: {  	v52 =	vld [tilespmem:$0x1460];
	v51 =	vadd.s32 $0xE74, v42;
	[tilespmem:$0x1400] =	vst v49  }
0x75: {  	v54 =	vld [tilespmem:$0x1470];
	v53 =	vadd.s32 $0xE74, v44;
	[tilespmem:$0x1410] =	vst v51  }
0x76: {  	v56 =	vld [tilespmem:$0x1480];
	v55 =	vadd.s32 $0xE74, v46;
	[tilespmem:$0x1420] =	vst v53  }
0x77: {  	v58 =	vld [tilespmem:$0x1490];
	v57 =	vadd.s32 $0xE74, v48;
	[tilespmem:$0x1430] =	vst v55  }
0x78: {  	v59 =	vadd.s32 $0xE74, v50;
	[tilespmem:$0x1440] =	vst v57  }
0x79: {  	v60 =	vadd.s32 $0xE74, v52;
	[tilespmem:$0x1450] =	vst v59  }
0x7a: {  	v61 =	vadd.s32 $0xE74, v54;
	[tilespmem:$0x1460] =	vst v60  }
0x7b: {  	[tilespmem:$0x1470] =	vst v61;
	v62 =	vadd.s32 $0xE74, v56  }
0x7c: {  	v63 =	vadd.s32 $0xE74, v58;
	[tilespmem:$0x1480] =	vst v62  }
0x7d: {  	[tilespmem:$0x1490] =	vst v63  }
0x7e: {  	[bflag:$0x0] =	sbarrier.arrive $0xFFFF  }
0x7f: {  	[tilespmem:s11], [sflag:$0x2] =	stream.indirect.gather [spmem:s2], $0x10, s5, s10, $0xb8;
	[tilespmem:$0x74A0] =	vst v63  }
0x80: {  	_ = 	snop  }
0x81: {  	[tilespmem:s12], [sflag:$0x2] =	stream.indirect.gather [spmem:s2], $0x10, s6, s10, $0xb8;
	[tilespmem:$0x74A0] =	vst v63  }
0x82: {  	_ = 	snop  }
0x83: {  	[tilespmem:s13], [sflag:$0x2] =	stream.indirect.gather [spmem:s2], $0x10, s7, s10, $0xb8;
	[tilespmem:$0x74A0] =	vst v63  }
0x84: {  	s17 =	rddreg [dreg:$0x18]  }
0x85: {  	[tilespmem:s14], [sflag:$0x2] =	stream.indirect.gather [spmem:s2], $0x10, s17, s10, $0xb8;
	[tilespmem:$0x74A0] =	vst v63  }
0x86: {  	s19 =	rddreg [dreg:$0x19]  }
0x87: {  	[tilespmem:s15], [sflag:$0x2] =	stream.indirect.gather [spmem:s2], $0x10, s19, s10, $0xb8;
	[tilespmem:$0x74A0] =	vst v63  }
0x88: {  	s21 =	rddreg [dreg:$0x1a]  }
0x89: {  	[tilespmem:s16], [sflag:$0x2] =	stream.indirect.gather [spmem:s2], $0x10, s21, s10, $0xb8;
	[tilespmem:$0x74A0] =	vst v63  }
0x8a: {  	s17 =	simm.s32 $0xFA0  }
0x8b: {  	[tilespmem:s18], [sflag:$0x2] =	stream.indirect.gather [spmem:s2], $0x10, s17, s10, $0xb8;
	[tilespmem:$0x74A0] =	vst v63  }
0x8c: {  	s19 =	simm.s32 $0x11A0  }
0x8d: {  	[tilespmem:s20], [sflag:$0x2] =	stream.indirect.gather [spmem:s2], $0x10, s19, s10, $0xb8;
	[tilespmem:$0x74A0] =	vst v63  }
0x8e: {  	s21 =	simm.s32 $0x13A0  }
0x8f: {  	[tilespmem:s22], [sflag:$0x2] =	stream.indirect.gather [spmem:s2], $0x10, s21, s10, $0xb8;
	[tilespmem:$0x74A0] =	vst v63  }
0x90: {  	_ = 	snop  }
0x91: {  	[tilespmem:s24], [sflag:$0x2] =	stream.indirect.gather [spmem:s2], $0x10, s23, s10, $0xb8;
	[tilespmem:$0x74A0] =	vst v63  }
0x92: {  	_ = 	snop  }
0x93: {  	[tilespmem:s26], [sflag:$0x2] =	stream.indirect.gather [spmem:s2], $0x10, s25, s10, $0xb8;
	[tilespmem:$0x74A0] =	vst v63  }
0x94: {  	_ = 	snop  }
0x95: {  	[tilespmem:s29], [sflag:$0x2] =	stream.indirect.gather [spmem:s2], $0x10, s28, s10, $0xb8;
	[tilespmem:$0x74A0] =	vst v63  }
0x96: {  	_ =	swait.ge [sflag:s30], $0x800  }
0x97: {  	[sflag:s30] =	ssyncset.done $0x0  }
0x98: {  	s17 =	rddreg [dreg:$0xb];
	[sflag:s30] =	ssyncadd.s32 $0xFFFFF800  }
0x99: {  	[hbm4b:s17+s31] =	stream.strided.scatter [tilespmem:s11], [sflag:$0x3], $0x800, s10, s31, $0x38;
	[tilespmem:$0x74A0] =	vst v63  }
0x9a: {  	_ =	swait.ge [sflag:s30], $0x800  }
0x9b: {  	[sflag:s30] =	ssyncset.done $0x0  }
0x9c: {  	s19 =	rddreg [dreg:$0xc];
	[sflag:s30] =	ssyncadd.s32 $0xFFFFF800  }
0x9d: {  	[hbm4b:s19+s31] =	stream.strided.scatter [tilespmem:s12], [sflag:$0x3], $0x800, s10, s31, $0x38;
	[tilespmem:$0x74A0] =	vst v63  }
0x9e: {  	_ =	swait.ge [sflag:s30], $0x800  }
0x9f: {  	[sflag:s30] =	ssyncset.done $0x0  }
0xa0: {  	s21 =	rddreg [dreg:$0xd];
	[sflag:s30] =	ssyncadd.s32 $0xFFFFF800  }
0xa1: {  	[hbm4b:s21+s31] =	stream.strided.scatter [tilespmem:s13], [sflag:$0x3], $0x800, s10, s31, $0x38;
	[tilespmem:$0x74A0] =	vst v63  }
0xa2: {  	_ =	swait.ge [sflag:s30], $0x800  }
0xa3: {  	[sflag:s30] =	ssyncset.done $0x0  }
0xa4: {  	s17 =	rddreg [dreg:$0xe];
	[sflag:s30] =	ssyncadd.s32 $0xFFFFF800  }
0xa5: {  	[hbm4b:s17+s31] =	stream.strided.scatter [tilespmem:s14], [sflag:$0x3], $0x800, s10, s31, $0x38;
	[tilespmem:$0x74A0] =	vst v63  }
0xa6: {  	_ =	swait.ge [sflag:s30], $0x800  }
0xa7: {  	[sflag:s30] =	ssyncset.done $0x0  }
0xa8: {  	s19 =	rddreg [dreg:$0xf];
	[sflag:s30] =	ssyncadd.s32 $0xFFFFF800  }
0xa9: {  	[hbm4b:s19+s31] =	stream.strided.scatter [tilespmem:s15], [sflag:$0x3], $0x800, s10, s31, $0x38;
	[tilespmem:$0x74A0] =	vst v63  }
0xaa: {  	_ =	swait.ge [sflag:s30], $0x800  }
0xab: {  	[sflag:s30] =	ssyncset.done $0x0  }
0xac: {  	s21 =	rddreg [dreg:$0x10];
	[sflag:s30] =	ssyncadd.s32 $0xFFFFF800  }
0xad: {  	[hbm4b:s21+s31] =	stream.strided.scatter [tilespmem:s16], [sflag:$0x3], $0x800, s10, s31, $0x38;
	[tilespmem:$0x74A0] =	vst v63  }
0xae: {  	_ =	swait.ge [sflag:s30], $0x800  }
0xaf: {  	[sflag:s30] =	ssyncset.done $0x0  }
0xb0: {  	s17 =	rddreg [dreg:$0x11];
	[sflag:s30] =	ssyncadd.s32 $0xFFFFF800  }
0xb1: {  	[hbm4b:s17+s31] =	stream.strided.scatter [tilespmem:s18], [sflag:$0x3], $0x800, s10, s31, $0x38;
	[tilespmem:$0x74A0] =	vst v63  }
0xb2: {  	_ =	swait.ge [sflag:s30], $0x800  }
0xb3: {  	[sflag:s30] =	ssyncset.done $0x0  }
0xb4: {  	s19 =	rddreg [dreg:$0x12];
	[sflag:s30] =	ssyncadd.s32 $0xFFFFF800  }
0xb5: {  	[hbm4b:s19+s31] =	stream.strided.scatter [tilespmem:s20], [sflag:$0x3], $0x800, s10, s31, $0x38;
	[tilespmem:$0x74A0] =	vst v63  }
0xb6: {  	_ =	swait.ge [sflag:s30], $0x800  }
0xb7: {  	[sflag:s30] =	ssyncset.done $0x0  }
0xb8: {  	s21 =	rddreg [dreg:$0x13];
	[sflag:s30] =	ssyncadd.s32 $0xFFFFF800  }
0xb9: {  	[hbm4b:s21+s31] =	stream.strided.scatter [tilespmem:s22], [sflag:$0x3], $0x800, s10, s31, $0x38;
	[tilespmem:$0x74A0] =	vst v63  }
0xba: {  	_ =	swait.ge [sflag:s30], $0x800  }
0xbb: {  	[sflag:s30] =	ssyncset.done $0x0  }
0xbc: {  	s17 =	rddreg [dreg:$0x14];
	[sflag:s30] =	ssyncadd.s32 $0xFFFFF800  }
0xbd: {  	[hbm4b:s17+s31] =	stream.strided.scatter [tilespmem:s24], [sflag:$0x3], $0x800, s10, s31, $0x38;
	[tilespmem:$0x74A0] =	vst v63  }
0xbe: {  	_ =	swait.ge [sflag:s30], $0x800  }
0xbf: {  	[sflag:s30] =	ssyncset.done $0x0  }
0xc0: {  	s19 =	rddreg [dreg:$0x15];
	[sflag:s30] =	ssyncadd.s32 $0xFFFFF800  }
0xc1: {  	[hbm4b:s19+s31] =	stream.strided.scatter [tilespmem:s26], [sflag:$0x3], $0x800, s10, s31, $0x38;
	[tilespmem:$0x74A0] =	vst v63  }
0xc2: {  	_ =	swait.ge [sflag:s30], $0x800  }
0xc3: {  	[sflag:s30] =	ssyncset.done $0x0  }
0xc4: {  	s21 =	rddreg [dreg:$0x16];
	[sflag:s30] =	ssyncadd.s32 $0xFFFFF800  }
0xc5: {  	[hbm4b:s21+s31] =	stream.strided.scatter [tilespmem:s29], [sflag:$0x3], $0x800, s10, s31, $0x38;
	[tilespmem:$0x74A0] =	vst v63  }
0xc6: {  	_ =	swait.ge [sflag:s0], $0x800  }
0xc7: {  	[sflag:s0] =	ssyncset.done $0x0  }
0xc8: {  	[sflag:s0] =	ssyncadd.s32 $0xFFFFF800  }
0xc9: {  	_ =	swait.ge [sflag:s0], $0x800  }
0xca: {  	[sflag:s0] =	ssyncset.done $0x0  }
0xcb: {  	[sflag:s0] =	ssyncadd.s32 $0xFFFFF800  }
0xcc: {  	_ =	swait.ge [sflag:s0], $0x800  }
0xcd: {  	[sflag:s0] =	ssyncset.done $0x0  }
0xce: {  	[sflag:s0] =	ssyncadd.s32 $0xFFFFF800  }
0xcf: {  	_ =	swait.ge [sflag:s0], $0x800  }
0xd0: {  	[sflag:s0] =	ssyncset.done $0x0  }
0xd1: {  	[sflag:s0] =	ssyncadd.s32 $0xFFFFF800  }
0xd2: {  	_ =	swait.ge [sflag:s0], $0x800  }
0xd3: {  	[sflag:s0] =	ssyncset.done $0x0  }
0xd4: {  	[sflag:s0] =	ssyncadd.s32 $0xFFFFF800  }
0xd5: {  	_ =	swait.ge [sflag:s0], $0x800  }
0xd6: {  	[sflag:s0] =	ssyncset.done $0x0  }
0xd7: {  	[sflag:s0] =	ssyncadd.s32 $0xFFFFF800  }
0xd8: {  	_ =	swait.ge [sflag:s0], $0x800  }
0xd9: {  	[sflag:s0] =	ssyncset.done $0x0  }
0xda: {  	[sflag:s0] =	ssyncadd.s32 $0xFFFFF800  }
0xdb: {  	_ =	swait.ge [sflag:s0], $0x800  }
0xdc: {  	[sflag:s0] =	ssyncset.done $0x0  }
0xdd: {  	[sflag:s0] =	ssyncadd.s32 $0xFFFFF800  }
0xde: {  	_ =	swait.ge [sflag:s0], $0x800  }
0xdf: {  	[sflag:s0] =	ssyncset.done $0x0  }
0xe0: {  	[sflag:s0] =	ssyncadd.s32 $0xFFFFF800  }
0xe1: {  	_ =	swait.ge [sflag:s0], $0x800  }
0xe2: {  	[sflag:s0] =	ssyncset.done $0x0  }
0xe3: {  	[sflag:s0] =	ssyncadd.s32 $0xFFFFF800  }
0xe4: {  	p0 =	sne.s32 s4, $0x1;
	_ =	swait.ge [sflag:s0], $0x800  }
.Ltmp0:
0xe5: {  	[sflag:s0] =	ssyncset.done $0x0;
	(pc) =	sbr.rel @p0 .LBB2_1-.Ltmp0, $4  }
0xe6: {  	[sflag:s0] =	ssyncadd.s32 $0xFFFFF800  }
0xe7: {  	_ =	swait.ge [sflag:s0], $0x800  }
0xe8: {  	[sflag:s0] =	ssyncset.done $0x0  }
0xe9: {  	s4 =	sadd.s32 $0xFFFFFFFF, s4;
	[sflag:s0] =	ssyncadd.s32 $0xFFFFF800  }
0xea: {  	_ =	sfence.sel $0x180000  }
0xeb: {  	[bflag:$0x0] =	sbarrier.arrive $0xFFFF  }
0xec: {  	_ =	strace $0x90000047  }
0xed: {  	s0 =	stileid.u32;
	[bflag:$0x2] =	sbarrier.arrive $0xFFFF  }
0xee: {  	p0 =	sne.s32 s0, $0x0;
	s0 =	rddreg [dreg:$0x5]  }
0xef: {  	s0 =	sadd.s32 @!p0 $0x100000, s0  }
0xf0: {  	[sflag:s0] =	ssyncadd.tile.s32 @!p0 $0x1;
	_ =	shalt  }
.Lfunc_end2:
_tile_overlayer_lowered:
.L_overlay_start_2:
0xf1: {  	(tag) =	ssettag $0x2  }
0xf2: {  	s0 =	rddreg [dreg:$0x0];
	s2 =	stileid.u32  }
0xf3: {  	s1 =	rddreg [dreg:$0x1];
	p0 =	sne.s32 s2, $0x0  }
0xf4: {  	s3 =	rddreg [dreg:$0x2];
	[bflag:$0x3] =	sbarrier.arrive $0xFFFF;
	s2 =	simm.s32 @!p0 $0x1C05  }
0xf5: {  	[timem:s3], [sflag:s2] =	dma.local @!p0 [hbm:s0], s1  }
0xf6: {  	s0 =	simm.s32 @!p0 $0x5  }
0xf7: {  	_ =	swait.ge @!p0 [sflag:s0], s1  }
0xf8: {  	s1 =	ssub.s32 @!p0 $0x0, s1;
	[sflag:s0] =	ssyncset.done @!p0 $0x0  }
0xf9: {  	[sflag:s0] =	ssyncadd.s32 @!p0 s1  }
0xfa: {  	[bflag:$0x3] =	sbarrier.arrive $0xFFFF  }
0xfb: {  	_ =	shalt  }

</sc_bundles>
